<compile_context>
chip_gen: v7x
topology: tpu7x:2x2x1
jax: 0.10.2.dev20260603
libtpu: 0.0.44.dev20260713+nightly
codegen_flags: <defaults>
</compile_context>

<pallas_src>
import jax
import jax.numpy as jnp
from jax.experimental import pallas as pl
from jax.experimental.pallas import tpu as pltpu

SCORE_THRESH = 0.05
NMS_THRESH = 0.5
DETECTIONS_PER_IMG = 300
TOPK_CANDIDATES = 1000
NEG = -1e9

K = 1024
P = 384


def _corners(cx, cy, w, h, t):
    c = jnp.abs(jnp.cos(t))
    s = jnp.abs(jnp.sin(t))
    W = w * c + h * s
    H = w * s + h * c
    return cx - W * 0.5, cy - H * 0.5, cx + W * 0.5, cy + H * 0.5


def _nms_kernel(acol_ref, arow_ref, o_ref, iou_ref):
    Ac = acol_ref[0]
    Ar = arow_ref[0]

    x1c, y1c, x2c, y2c = _corners(
        Ac[:, 0:1], Ac[:, 1:2], Ac[:, 2:3], Ac[:, 3:4], Ac[:, 4:5])
    area_c = (x2c - x1c) * (y2c - y1c)
    x1r, y1r, x2r, y2r = _corners(
        Ar[0:1, :], Ar[1:2, :], Ar[2:3, :], Ar[3:4, :], Ar[4:5, :])
    area_r = (x2r - x1r) * (y2r - y1r)

    xx1 = jnp.maximum(x1c, x1r)
    yy1 = jnp.maximum(y1c, y1r)
    xx2 = jnp.minimum(x2c, x2r)
    yy2 = jnp.minimum(y2c, y2r)
    inter = jnp.maximum(xx2 - xx1, 0.0) * jnp.maximum(yy2 - yy1, 0.0)
    union = area_c + area_r - inter
    iou = inter / (union + 1e-7)
    same = Ac[:, 6:7] == Ar[6:7, :]
    iou_ref[:, :, :] = jnp.where(same, iou, 0.0).reshape(K, 8, 128)

    sub = jax.lax.broadcasted_iota(jnp.int32, (8, 128), 0)
    lane = jax.lax.broadcasted_iota(jnp.int32, (8, 128), 1)
    colid = sub * 128 + lane
    keep0 = jnp.ones((8, 128), jnp.float32)

    def body(i, keep):
        row = iou_ref[i]
        ki = jnp.sum(jnp.where(colid == i, keep, 0.0))
        sup = (row > NMS_THRESH) & (colid > i) & (ki > 0.5)
        return jnp.where(sup, 0.0, keep)

    keep = jax.lax.fori_loop(0, K, body, keep0, unroll=8)

    s_row = Ar[5:6, :]
    validf = keep.reshape(1, K) * (s_row > NEG / 2).astype(jnp.float32)

    ri = jax.lax.broadcasted_iota(jnp.int32, (K, K), 0)
    ci = jax.lax.broadcasted_iota(jnp.int32, (K, K), 1)
    tri = (ri <= ci).astype(jnp.float32)
    cum = jnp.dot(validf, tri, preferred_element_type=jnp.float32)
    pos = cum - 1.0

    prow = jax.lax.broadcasted_iota(jnp.int32, (P, 1), 0).astype(jnp.float32)
    onehot = ((prow == pos) & (validf > 0.5)).astype(jnp.float32)

    lab_p1 = Ac[:, 6:7] + 1.0
    vals = jnp.concatenate([Ac[:, 0:6], lab_p1, Ac[:, 7:8]], axis=1)
    out = jnp.dot(onehot, vals, preferred_element_type=jnp.float32)
    chan = jax.lax.broadcasted_iota(jnp.int32, (P, 8), 1)
    out = jnp.where(chan == 6, out - 1.0, out)
    o_ref[0] = out


def kernel(boxes, scores, labels):
    B, N = scores.shape
    scores_f = jnp.where(scores > SCORE_THRESH, scores, NEG)
    top_s, idx = jax.lax.top_k(scores_f, TOPK_CANDIDATES)
    top_b = jnp.take_along_axis(boxes, idx[..., None], axis=1)
    top_l = jnp.take_along_axis(labels, idx, axis=1)

    pad = K - TOPK_CANDIDATES
    top_s = jnp.pad(top_s, ((0, 0), (0, pad)), constant_values=NEG)
    top_b = jnp.pad(top_b, ((0, 0), (0, pad), (0, 0)))
    top_l = jnp.pad(top_l, ((0, 0), (0, pad)), constant_values=-1)

    A = jnp.concatenate(
        [top_b, top_s[..., None], top_l[..., None].astype(jnp.float32),
         jnp.zeros((B, K, 1), jnp.float32)], axis=-1)
    At = jnp.swapaxes(A, 1, 2)

    O = pl.pallas_call(
        _nms_kernel,
        grid=(B,),
        in_specs=[
            pl.BlockSpec((1, K, 8), lambda b: (b, 0, 0)),
            pl.BlockSpec((1, 8, K), lambda b: (b, 0, 0)),
        ],
        out_specs=pl.BlockSpec((1, P, 8), lambda b: (b, 0, 0)),
        out_shape=jax.ShapeDtypeStruct((B, P, 8), jnp.float32),
        scratch_shapes=[pltpu.VMEM((K, 8, 128), jnp.float32)],
        compiler_params=pltpu.CompilerParams(
            dimension_semantics=("parallel",)),
    )(A, At)

    out_b = O[:, :DETECTIONS_PER_IMG, 0:5]
    out_s = O[:, :DETECTIONS_PER_IMG, 5]
    out_l = jnp.round(O[:, :DETECTIONS_PER_IMG, 6]).astype(jnp.int32)
    return out_b, out_s, out_l

# --- scband reference (transcript-rebuilt; emitter-appended) ---
"""Pipeline reference for scband-detection-post-processor-70781061038909 (READ-ONLY COPY).

The authoritative reference and input builder live on the scoring server;
editing this copy changes nothing except your own understanding.
"""

import jax, jax.numpy as jnp
import numpy as np

SCORE_THRESH = 0.05
NMS_THRESH = 0.5
DETECTIONS_PER_IMG = 300
TOPK_CANDIDATES = 1000
NEG = -1e9


def _aligned_corners(boxes):
    # rotated box (cx, cy, w, h, theta) -> axis-aligned enclosing box
    cx = boxes[..., 0]; cy = boxes[..., 1]
    w = boxes[..., 2]; h = boxes[..., 3]; t = boxes[..., 4]
    c = jnp.abs(jnp.cos(t)); s = jnp.abs(jnp.sin(t))
    W = w * c + h * s
    H = w * s + h * c
    return cx - W / 2, cy - H / 2, cx + W / 2, cy + H / 2


def _pairwise_iou(boxes):
    # approximate rotated IoU via axis-aligned enclosing boxes (proxy for approx_sdf_l1)
    x1, y1, x2, y2 = _aligned_corners(boxes)
    area = (x2 - x1) * (y2 - y1)
    xx1 = jnp.maximum(x1[:, None], x1[None, :])
    yy1 = jnp.maximum(y1[:, None], y1[None, :])
    xx2 = jnp.minimum(x2[:, None], x2[None, :])
    yy2 = jnp.minimum(y2[:, None], y2[None, :])
    inter = jnp.clip(xx2 - xx1, 0.0) * jnp.clip(yy2 - yy1, 0.0)
    union = area[:, None] + area[None, :] - inter
    return inter / (union + 1e-7)


def _greedy_keep(iou):
    K = iou.shape[0]
    ar = jnp.arange(K)

    def body(i, keep):
        sup = (iou[i] > NMS_THRESH) & keep[i] & (ar > i)
        return keep & (~sup)

    return jax.lax.fori_loop(0, K, body, jnp.ones((K,), dtype=bool))


def _postprocess_single(boxes, scores, labels):
    # 1) score filtering
    scores_f = jnp.where(scores > SCORE_THRESH, scores, NEG)
    # 2) topk candidate selection (top_k returns sorted descending)
    top_s, idx = jax.lax.top_k(scores_f, TOPK_CANDIDATES)
    top_b = boxes[idx]
    top_l = labels[idx]
    # 3) class-aware greedy NMS on candidates
    iou = _pairwise_iou(top_b)
    same = top_l[:, None] == top_l[None, :]
    iou = jnp.where(same, iou, 0.0)
    keep = _greedy_keep(jax.lax.stop_gradient(iou))
    valid = keep & (top_s > NEG / 2)
    final_s = jnp.where(valid, top_s, NEG)
    # 4) limit to detections_per_img, pad invalid slots
    out_s, oi = jax.lax.top_k(final_s, DETECTIONS_PER_IMG)
    out_b = top_b[oi]
    out_l = top_l[oi]
    vo = out_s > NEG / 2
    out_b = jnp.where(vo[:, None], out_b, 0.0)
    out_s = jnp.where(vo, out_s, 0.0)
    out_l = jnp.where(vo, out_l, -1)
    return out_b, out_s, out_l


def setup_inputs(seed: int = 0) -> dict:
    key = jax.random.key(seed)
    k1, k2, k3, k4, k5 = jax.random.split(key, 5)
    B, N = 8, 20000
    centers = jax.random.uniform(k1, (B, N, 2), dtype=jnp.float32) * 1024.0
    sizes = jax.random.uniform(k2, (B, N, 2), dtype=jnp.float32) * 120.0 + 8.0
    angles = (jax.random.uniform(k3, (B, N, 1), dtype=jnp.float32) - 0.5) * np.pi
    boxes = jnp.concatenate([centers, sizes, angles], axis=-1)
    scores = jax.random.uniform(k4, (B, N), dtype=jnp.float32)
    labels = jax.random.randint(k5, (B, N), 0, 80, dtype=jnp.int32)
    return {"boxes": boxes, "scores": scores, "labels": labels}


def reference(boxes, scores, labels):
    out_b, out_s, out_l = jax.vmap(_postprocess_single)(boxes, scores, labels)
    return (out_b, out_s, out_l)

if __name__ == "__main__":
    import jax
    _d = setup_inputs()
    print(jax.jit(kernel)(*tuple(_d.values())))

</pallas_src>

<mosaic_0001>
module attributes {stable_mosaic.version = 14 : i64} {
  func.func @_nms_kernel(%arg0: i32, %arg1: memref<1x1024x8xf32, #tpu.memory_space<vmem>>, %arg2: memref<1x8x1024xf32, #tpu.memory_space<vmem>>, %arg3: memref<1x384x8xf32, #tpu.memory_space<vmem>>, %arg4: memref<1024x8x128xf32, #tpu.memory_space<vmem>>) attributes {dimension_semantics = [#tpu.dimension_semantics<parallel>], iteration_bounds = array<i64: 8>, scalar_prefetch = 0 : i64, scratch_operands = 1 : i64, tpu.core_type = #tpu.core_type<tc>, window_params = [{transform_indices = @transform_0, window_bounds = array<i64: 1, 1024, 8>}, {transform_indices = @transform_1, window_bounds = array<i64: 1, 8, 1024>}, {transform_indices = @transform_2, window_bounds = array<i64: 1, 384, 8>}]} {
    %get3A = arith.constant 0 : index
    %get3A_0 = arith.constant 0 : index
    %get3A_1 = arith.constant 0 : index
    %get3A_2 = vector.load %arg1[%get3A, %get3A_0, %get3A_1] : memref<1x1024x8xf32, #tpu.memory_space<vmem>>, vector<1x1024x8xf32>
    %get3A_3 = vector.shape_cast %get3A_2 : vector<1x1024x8xf32> to vector<1024x8xf32>
    %get3A_4 = arith.constant 0 : index
    %get3A_5 = arith.constant 0 : index
    %get3A_6 = arith.constant 0 : index
    %get3A_7 = vector.load %arg2[%get3A_4, %get3A_5, %get3A_6] : memref<1x8x1024xf32, #tpu.memory_space<vmem>>, vector<1x8x1024xf32>
    %get3A_8 = vector.shape_cast %get3A_7 : vector<1x8x1024xf32> to vector<8x1024xf32>
    %slice3A = vector.extract_strided_slice %get3A_3 {offsets = [0, 0], sizes = [1024, 1], strides = [1, 1]} : vector<1024x8xf32> to vector<1024x1xf32>
    %slice3A_9 = vector.extract_strided_slice %get3A_3 {offsets = [0, 1], sizes = [1024, 1], strides = [1, 1]} : vector<1024x8xf32> to vector<1024x1xf32>
    %slice3A_10 = vector.extract_strided_slice %get3A_3 {offsets = [0, 2], sizes = [1024, 1], strides = [1, 1]} : vector<1024x8xf32> to vector<1024x1xf32>
    %slice3A_11 = vector.extract_strided_slice %get3A_3 {offsets = [0, 3], sizes = [1024, 1], strides = [1, 1]} : vector<1024x8xf32> to vector<1024x1xf32>
    %slice3A_12 = vector.extract_strided_slice %get3A_3 {offsets = [0, 4], sizes = [1024, 1], strides = [1, 1]} : vector<1024x8xf32> to vector<1024x1xf32>
    %cos3A = math.cos %slice3A_12 : vector<1024x1xf32>
    %abs3A = math.absf %cos3A : vector<1024x1xf32>
    %sin3A = math.sin %slice3A_12 : vector<1024x1xf32>
    %abs3A_13 = math.absf %sin3A : vector<1024x1xf32>
    %mul3A = arith.mulf %slice3A_10, %abs3A : vector<1024x1xf32>
    %mul3A_14 = arith.mulf %slice3A_11, %abs3A_13 : vector<1024x1xf32>
    %add3A = arith.addf %mul3A, %mul3A_14 : vector<1024x1xf32>
    %mul3A_15 = arith.mulf %slice3A_10, %abs3A_13 : vector<1024x1xf32>
    %mul3A_16 = arith.mulf %slice3A_11, %abs3A : vector<1024x1xf32>
    %add3A_17 = arith.addf %mul3A_15, %mul3A_16 : vector<1024x1xf32>
    %mul3A_18 = arith.constant 5.000000e-01 : f32
    %mul3A_19 = vector.broadcast %mul3A_18 : f32 to vector<1024x1xf32>
    %mul3A_20 = arith.mulf %add3A, %mul3A_19 : vector<1024x1xf32>
    %sub3A = arith.subf %slice3A, %mul3A_20 : vector<1024x1xf32>
    %mul3A_21 = arith.constant 5.000000e-01 : f32
    %mul3A_22 = vector.broadcast %mul3A_21 : f32 to vector<1024x1xf32>
    %mul3A_23 = arith.mulf %add3A_17, %mul3A_22 : vector<1024x1xf32>
    %sub3A_24 = arith.subf %slice3A_9, %mul3A_23 : vector<1024x1xf32>
    %mul3A_25 = arith.constant 5.000000e-01 : f32
    %mul3A_26 = vector.broadcast %mul3A_25 : f32 to vector<1024x1xf32>
    %mul3A_27 = arith.mulf %add3A, %mul3A_26 : vector<1024x1xf32>
    %add3A_28 = arith.addf %slice3A, %mul3A_27 : vector<1024x1xf32>
    %mul3A_29 = arith.constant 5.000000e-01 : f32
    %mul3A_30 = vector.broadcast %mul3A_29 : f32 to vector<1024x1xf32>
    %mul3A_31 = arith.mulf %add3A_17, %mul3A_30 : vector<1024x1xf32>
    %add3A_32 = arith.addf %slice3A_9, %mul3A_31 : vector<1024x1xf32>
    %sub3A_33 = arith.subf %add3A_28, %sub3A : vector<1024x1xf32>
    %sub3A_34 = arith.subf %add3A_32, %sub3A_24 : vector<1024x1xf32>
    %mul3A_35 = arith.mulf %sub3A_33, %sub3A_34 : vector<1024x1xf32>
    %slice3A_36 = vector.extract_strided_slice %get3A_8 {offsets = [0, 0], sizes = [1, 1024], strides = [1, 1]} : vector<8x1024xf32> to vector<1x1024xf32>
    %slice3A_37 = vector.extract_strided_slice %get3A_8 {offsets = [1, 0], sizes = [1, 1024], strides = [1, 1]} : vector<8x1024xf32> to vector<1x1024xf32>
    %slice3A_38 = vector.extract_strided_slice %get3A_8 {offsets = [2, 0], sizes = [1, 1024], strides = [1, 1]} : vector<8x1024xf32> to vector<1x1024xf32>
    %slice3A_39 = vector.extract_strided_slice %get3A_8 {offsets = [3, 0], sizes = [1, 1024], strides = [1, 1]} : vector<8x1024xf32> to vector<1x1024xf32>
    %slice3A_40 = vector.extract_strided_slice %get3A_8 {offsets = [4, 0], sizes = [1, 1024], strides = [1, 1]} : vector<8x1024xf32> to vector<1x1024xf32>
    %cos3A_41 = math.cos %slice3A_40 : vector<1x1024xf32>
    %abs3A_42 = math.absf %cos3A_41 : vector<1x1024xf32>
    %sin3A_43 = math.sin %slice3A_40 : vector<1x1024xf32>
    %abs3A_44 = math.absf %sin3A_43 : vector<1x1024xf32>
    %mul3A_45 = arith.mulf %slice3A_38, %abs3A_42 : vector<1x1024xf32>
    %mul3A_46 = arith.mulf %slice3A_39, %abs3A_44 : vector<1x1024xf32>
    %add3A_47 = arith.addf %mul3A_45, %mul3A_46 : vector<1x1024xf32>
    %mul3A_48 = arith.mulf %slice3A_38, %abs3A_44 : vector<1x1024xf32>
    %mul3A_49 = arith.mulf %slice3A_39, %abs3A_42 : vector<1x1024xf32>
    %add3A_50 = arith.addf %mul3A_48, %mul3A_49 : vector<1x1024xf32>
    %mul3A_51 = arith.constant 5.000000e-01 : f32
    %mul3A_52 = vector.broadcast %mul3A_51 : f32 to vector<1x1024xf32>
    %mul3A_53 = arith.mulf %add3A_47, %mul3A_52 : vector<1x1024xf32>
    %sub3A_54 = arith.subf %slice3A_36, %mul3A_53 : vector<1x1024xf32>
    %mul3A_55 = arith.constant 5.000000e-01 : f32
    %mul3A_56 = vector.broadcast %mul3A_55 : f32 to vector<1x1024xf32>
    %mul3A_57 = arith.mulf %add3A_50, %mul3A_56 : vector<1x1024xf32>
    %sub3A_58 = arith.subf %slice3A_37, %mul3A_57 : vector<1x1024xf32>
    %mul3A_59 = arith.constant 5.000000e-01 : f32
    %mul3A_60 = vector.broadcast %mul3A_59 : f32 to vector<1x1024xf32>
    %mul3A_61 = arith.mulf %add3A_47, %mul3A_60 : vector<1x1024xf32>
    %add3A_62 = arith.addf %slice3A_36, %mul3A_61 : vector<1x1024xf32>
    %mul3A_63 = arith.constant 5.000000e-01 : f32
    %mul3A_64 = vector.broadcast %mul3A_63 : f32 to vector<1x1024xf32>
    %mul3A_65 = arith.mulf %add3A_50, %mul3A_64 : vector<1x1024xf32>
    %add3A_66 = arith.addf %slice3A_37, %mul3A_65 : vector<1x1024xf32>
    %sub3A_67 = arith.subf %add3A_62, %sub3A_54 : vector<1x1024xf32>
    %sub3A_68 = arith.subf %add3A_66, %sub3A_58 : vector<1x1024xf32>
    %mul3A_69 = arith.mulf %sub3A_67, %sub3A_68 : vector<1x1024xf32>
    %max3A = vector.broadcast %sub3A : vector<1024x1xf32> to vector<1024x1024xf32>
    %max3A_70 = vector.broadcast %sub3A_54 : vector<1x1024xf32> to vector<1024x1024xf32>
    %max3A_71 = arith.maximumf %max3A, %max3A_70 : vector<1024x1024xf32>
    %max3A_72 = vector.broadcast %sub3A_24 : vector<1024x1xf32> to vector<1024x1024xf32>
    %max3A_73 = vector.broadcast %sub3A_58 : vector<1x1024xf32> to vector<1024x1024xf32>
    %max3A_74 = arith.maximumf %max3A_72, %max3A_73 : vector<1024x1024xf32>
    %min3A = vector.broadcast %add3A_28 : vector<1024x1xf32> to vector<1024x1024xf32>
    %min3A_75 = vector.broadcast %add3A_62 : vector<1x1024xf32> to vector<1024x1024xf32>
    %min3A_76 = arith.minimumf %min3A, %min3A_75 : vector<1024x1024xf32>
    %min3A_77 = vector.broadcast %add3A_32 : vector<1024x1xf32> to vector<1024x1024xf32>
    %min3A_78 = vector.broadcast %add3A_66 : vector<1x1024xf32> to vector<1024x1024xf32>
    %min3A_79 = arith.minimumf %min3A_77, %min3A_78 : vector<1024x1024xf32>
    %sub3A_80 = arith.subf %min3A_76, %max3A_71 : vector<1024x1024xf32>
    %max3A_81 = arith.constant 0.000000e+00 : f32
    %max3A_82 = vector.broadcast %max3A_81 : f32 to vector<1024x1024xf32>
    %max3A_83 = arith.maximumf %sub3A_80, %max3A_82 : vector<1024x1024xf32>
    %sub3A_84 = arith.subf %min3A_79, %max3A_74 : vector<1024x1024xf32>
    %max3A_85 = arith.constant 0.000000e+00 : f32
    %max3A_86 = vector.broadcast %max3A_85 : f32 to vector<1024x1024xf32>
    %max3A_87 = arith.maximumf %sub3A_84, %max3A_86 : vector<1024x1024xf32>
    %mul3A_88 = arith.mulf %max3A_83, %max3A_87 : vector<1024x1024xf32>
    %add3A_89 = vector.broadcast %mul3A_35 : vector<1024x1xf32> to vector<1024x1024xf32>
    %add3A_90 = vector.broadcast %mul3A_69 : vector<1x1024xf32> to vector<1024x1024xf32>
    %add3A_91 = arith.addf %add3A_89, %add3A_90 : vector<1024x1024xf32>
    %sub3A_92 = arith.subf %add3A_91, %mul3A_88 : vector<1024x1024xf32>
    %add3A_93 = arith.constant 1.000000e-07 : f32
    %add3A_94 = vector.broadcast %add3A_93 : f32 to vector<1024x1024xf32>
    %add3A_95 = arith.addf %sub3A_92, %add3A_94 : vector<1024x1024xf32>
    %div3A = arith.divf %mul3A_88, %add3A_95 : vector<1024x1024xf32>
    %slice3A_96 = vector.extract_strided_slice %get3A_3 {offsets = [0, 6], sizes = [1024, 1], strides = [1, 1]} : vector<1024x8xf32> to vector<1024x1xf32>
    %slice3A_97 = vector.extract_strided_slice %get3A_8 {offsets = [6, 0], sizes = [1, 1024], strides = [1, 1]} : vector<8x1024xf32> to vector<1x1024xf32>
    %eq3A = vector.broadcast %slice3A_96 : vector<1024x1xf32> to vector<1024x1024xf32>
    %eq3A_98 = vector.broadcast %slice3A_97 : vector<1x1024xf32> to vector<1024x1024xf32>
    %eq3A_99 = arith.cmpf oeq, %eq3A, %eq3A_98 : vector<1024x1024xf32>
    %jit3A = arith.constant 0.000000e+00 : f32
    %broadcast_in_dim3A = vector.broadcast %jit3A : f32 to vector<1024x1024xf32>
    %select_n3A = arith.select %eq3A_99, %div3A, %broadcast_in_dim3A : vector<1024x1024xi1>, vector<1024x1024xf32>
    %reshape3A = vector.shape_cast %select_n3A : vector<1024x1024xf32> to vector<1024x8x128xf32>
    %swap3A = arith.constant 0 : index
    %swap3A_100 = arith.constant 0 : index
    %swap3A_101 = arith.constant 0 : index
    %swap3A_102 = vector.load %arg4[%swap3A, %swap3A_100, %swap3A_101] : memref<1024x8x128xf32, #tpu.memory_space<vmem>>, vector<1024x8x128xf32>
    tpu.vector_store %arg4[%swap3A, %swap3A_100, %swap3A_101], %reshape3A {strides = array<i32>} : memref<1024x8x128xf32, #tpu.memory_space<vmem>>, vector<1024x8x128xf32>,
    %iota3A = tpu.iota {dimensions = array<i32: 0>} : vector<8x128xi32>
    %iota3A_103 = tpu.iota {dimensions = array<i32: 1>} : vector<8x128xi32>
    %mul3A_104 = arith.constant 128 : i32
    %mul3A_105 = vector.broadcast %mul3A_104 : i32 to vector<8x128xi32>
    %mul3A_106 = arith.muli %iota3A, %mul3A_105 : vector<8x128xi32>
    %add3A_107 = arith.addi %mul3A_106, %iota3A_103 : vector<8x128xi32>
    %broadcast_in_dim3A_108 = arith.constant 1.000000e+00 : f32
    %broadcast_in_dim3A_109 = vector.broadcast %broadcast_in_dim3A_108 : f32 to vector<8x128xf32>
    %scan3A = arith.constant 0 : i32
    %scan3A_110 = arith.constant 1024 : i32
    %scan3A_111 = arith.addi %scan3A, %scan3A_110 : i32
    %scan3A_112 = arith.constant 8 : i32
    %scan3A_113 = scf.for %scan3A_162 = %scan3A to %scan3A_111 step %scan3A_112 iter_args(%scan3A_163 = %broadcast_in_dim3A_109) -> (vector<8x128xf32>)  : i32 {
      %get3A_164 = arith.index_cast %scan3A_162 : i32 to index
      %get3A_165 = arith.constant 0 : index
      %get3A_166 = arith.constant 0 : index
      %get3A_167 = vector.load %arg4[%get3A_164, %get3A_165, %get3A_166] : memref<1024x8x128xf32, #tpu.memory_space<vmem>>, vector<1x8x128xf32>
      %get3A_168 = vector.shape_cast %get3A_167 : vector<1x8x128xf32> to vector<8x128xf32>
      %eq3A_169 = vector.broadcast %scan3A_162 : i32 to vector<8x128xi32>
      %eq3A_170 = arith.cmpi eq, %add3A_107, %eq3A_169 : vector<8x128xi32>
      %jit3A_171 = arith.constant 0.000000e+00 : f32
      %broadcast_in_dim3A_172 = vector.broadcast %jit3A_171 : f32 to vector<8x128xf32>
      %select_n3A_173 = arith.select %eq3A_170, %scan3A_163, %broadcast_in_dim3A_172 : vector<8x128xi1>, vector<8x128xf32>
      %reduce_sum3A = vector.shape_cast %select_n3A_173 : vector<8x128xf32> to vector<1x8x128xf32>
      %reduce_sum3A_174 = arith.constant dense<0.000000e+00> : vector<1xf32>
      %reduce_sum3A_175 = vector.multi_reduction <add>, %reduce_sum3A, %reduce_sum3A_174 [1, 2] : vector<1x8x128xf32> to vector<1xf32>
      %reduce_sum3A_176 = vector.shape_cast %reduce_sum3A_175 : vector<1xf32> to vector<1x1x1xf32>
      %reduce_sum3A_177 = vector.extract %reduce_sum3A_176[0, 0, 0] : f32 from vector<1x1x1xf32>
      %gt3A_178 = arith.constant 5.000000e-01 : f32
      %gt3A_179 = vector.broadcast %gt3A_178 : f32 to vector<8x128xf32>
      %gt3A_180 = arith.cmpf ogt, %get3A_168, %gt3A_179 : vector<8x128xf32>
      %gt3A_181 = vector.broadcast %scan3A_162 : i32 to vector<8x128xi32>
      %gt3A_182 = arith.cmpi sgt, %add3A_107, %gt3A_181 : vector<8x128xi32>
      %and3A_183 = arith.andi %gt3A_180, %gt3A_182 : vector<8x128xi1>
      %gt3A_184 = arith.constant 5.000000e-01 : f32
      %gt3A_185 = arith.cmpf ogt, %reduce_sum3A_177, %gt3A_184 : f32
      %and3A_186 = vector.broadcast %gt3A_185 : i1 to vector<8x128xi1>
      %and3A_187 = arith.andi %and3A_183, %and3A_186 : vector<8x128xi1>
      %jit3A_188 = arith.constant 0.000000e+00 : f32
      %broadcast_in_dim3A_189 = vector.broadcast %jit3A_188 : f32 to vector<8x128xf32>
      %select_n3A_190 = arith.select %and3A_187, %broadcast_in_dim3A_189, %scan3A_163 : vector<8x128xi1>, vector<8x128xf32>
      %scan3A_191 = arith.constant 1 : i32
      %scan3A_192 = arith.addi %scan3A_162, %scan3A_191 : i32
      %get3A_193 = arith.index_cast %scan3A_192 : i32 to index
      %get3A_194 = arith.constant 0 : index
      %get3A_195 = arith.constant 0 : index
      %get3A_196 = vector.load %arg4[%get3A_193, %get3A_194, %get3A_195] : memref<1024x8x128xf32, #tpu.memory_space<vmem>>, vector<1x8x128xf32>
      %get3A_197 = vector.shape_cast %get3A_196 : vector<1x8x128xf32> to vector<8x128xf32>
      %eq3A_198 = vector.broadcast %scan3A_192 : i32 to vector<8x128xi32>
      %eq3A_199 = arith.cmpi eq, %add3A_107, %eq3A_198 : vector<8x128xi32>
      %jit3A_200 = arith.constant 0.000000e+00 : f32
      %broadcast_in_dim3A_201 = vector.broadcast %jit3A_200 : f32 to vector<8x128xf32>
      %select_n3A_202 = arith.select %eq3A_199, %select_n3A_190, %broadcast_in_dim3A_201 : vector<8x128xi1>, vector<8x128xf32>
      %reduce_sum3A_203 = vector.shape_cast %select_n3A_202 : vector<8x128xf32> to vector<1x8x128xf32>
      %reduce_sum3A_204 = arith.constant dense<0.000000e+00> : vector<1xf32>
      %reduce_sum3A_205 = vector.multi_reduction <add>, %reduce_sum3A_203, %reduce_sum3A_204 [1, 2] : vector<1x8x128xf32> to vector<1xf32>
      %reduce_sum3A_206 = vector.shape_cast %reduce_sum3A_205 : vector<1xf32> to vector<1x1x1xf32>
      %reduce_sum3A_207 = vector.extract %reduce_sum3A_206[0, 0, 0] : f32 from vector<1x1x1xf32>
      %gt3A_208 = arith.constant 5.000000e-01 : f32
      %gt3A_209 = vector.broadcast %gt3A_208 : f32 to vector<8x128xf32>
      %gt3A_210 = arith.cmpf ogt, %get3A_197, %gt3A_209 : vector<8x128xf32>
      %gt3A_211 = vector.broadcast %scan3A_192 : i32 to vector<8x128xi32>
      %gt3A_212 = arith.cmpi sgt, %add3A_107, %gt3A_211 : vector<8x128xi32>
      %and3A_213 = arith.andi %gt3A_210, %gt3A_212 : vector<8x128xi1>
      %gt3A_214 = arith.constant 5.000000e-01 : f32
      %gt3A_215 = arith.cmpf ogt, %reduce_sum3A_207, %gt3A_214 : f32
      %and3A_216 = vector.broadcast %gt3A_215 : i1 to vector<8x128xi1>
      %and3A_217 = arith.andi %and3A_213, %and3A_216 : vector<8x128xi1>
      %jit3A_218 = arith.constant 0.000000e+00 : f32
      %broadcast_in_dim3A_219 = vector.broadcast %jit3A_218 : f32 to vector<8x128xf32>
      %select_n3A_220 = arith.select %and3A_217, %broadcast_in_dim3A_219, %select_n3A_190 : vector<8x128xi1>, vector<8x128xf32>
      %scan3A_221 = arith.constant 2 : i32
      %scan3A_222 = arith.addi %scan3A_162, %scan3A_221 : i32
      %get3A_223 = arith.index_cast %scan3A_222 : i32 to index
      %get3A_224 = arith.constant 0 : index
      %get3A_225 = arith.constant 0 : index
      %get3A_226 = vector.load %arg4[%get3A_223, %get3A_224, %get3A_225] : memref<1024x8x128xf32, #tpu.memory_space<vmem>>, vector<1x8x128xf32>
      %get3A_227 = vector.shape_cast %get3A_226 : vector<1x8x128xf32> to vector<8x128xf32>
      %eq3A_228 = vector.broadcast %scan3A_222 : i32 to vector<8x128xi32>
      %eq3A_229 = arith.cmpi eq, %add3A_107, %eq3A_228 : vector<8x128xi32>
      %jit3A_230 = arith.constant 0.000000e+00 : f32
      %broadcast_in_dim3A_231 = vector.broadcast %jit3A_230 : f32 to vector<8x128xf32>
      %select_n3A_232 = arith.select %eq3A_229, %select_n3A_220, %broadcast_in_dim3A_231 : vector<8x128xi1>, vector<8x128xf32>
      %reduce_sum3A_233 = vector.shape_cast %select_n3A_232 : vector<8x128xf32> to vector<1x8x128xf32>
      %reduce_sum3A_234 = arith.constant dense<0.000000e+00> : vector<1xf32>
      %reduce_sum3A_235 = vector.multi_reduction <add>, %reduce_sum3A_233, %reduce_sum3A_234 [1, 2] : vector<1x8x128xf32> to vector<1xf32>
      %reduce_sum3A_236 = vector.shape_cast %reduce_sum3A_235 : vector<1xf32> to vector<1x1x1xf32>
      %reduce_sum3A_237 = vector.extract %reduce_sum3A_236[0, 0, 0] : f32 from vector<1x1x1xf32>
      %gt3A_238 = arith.constant 5.000000e-01 : f32
      %gt3A_239 = vector.broadcast %gt3A_238 : f32 to vector<8x128xf32>
      %gt3A_240 = arith.cmpf ogt, %get3A_227, %gt3A_239 : vector<8x128xf32>
      %gt3A_241 = vector.broadcast %scan3A_222 : i32 to vector<8x128xi32>
      %gt3A_242 = arith.cmpi sgt, %add3A_107, %gt3A_241 : vector<8x128xi32>
      %and3A_243 = arith.andi %gt3A_240, %gt3A_242 : vector<8x128xi1>
      %gt3A_244 = arith.constant 5.000000e-01 : f32
      %gt3A_245 = arith.cmpf ogt, %reduce_sum3A_237, %gt3A_244 : f32
      %and3A_246 = vector.broadcast %gt3A_245 : i1 to vector<8x128xi1>
      %and3A_247 = arith.andi %and3A_243, %and3A_246 : vector<8x128xi1>
      %jit3A_248 = arith.constant 0.000000e+00 : f32
      %broadcast_in_dim3A_249 = vector.broadcast %jit3A_248 : f32 to vector<8x128xf32>
      %select_n3A_250 = arith.select %and3A_247, %broadcast_in_dim3A_249, %select_n3A_220 : vector<8x128xi1>, vector<8x128xf32>
      %scan3A_251 = arith.constant 3 : i32
      %scan3A_252 = arith.addi %scan3A_162, %scan3A_251 : i32
      %get3A_253 = arith.index_cast %scan3A_252 : i32 to index
      %get3A_254 = arith.constant 0 : index
      %get3A_255 = arith.constant 0 : index
      %get3A_256 = vector.load %arg4[%get3A_253, %get3A_254, %get3A_255] : memref<1024x8x128xf32, #tpu.memory_space<vmem>>, vector<1x8x128xf32>
      %get3A_257 = vector.shape_cast %get3A_256 : vector<1x8x128xf32> to vector<8x128xf32>
      %eq3A_258 = vector.broadcast %scan3A_252 : i32 to vector<8x128xi32>
      %eq3A_259 = arith.cmpi eq, %add3A_107, %eq3A_258 : vector<8x128xi32>
      %jit3A_260 = arith.constant 0.000000e+00 : f32
      %broadcast_in_dim3A_261 = vector.broadcast %jit3A_260 : f32 to vector<8x128xf32>
      %select_n3A_262 = arith.select %eq3A_259, %select_n3A_250, %broadcast_in_dim3A_261 : vector<8x128xi1>, vector<8x128xf32>
      %reduce_sum3A_263 = vector.shape_cast %select_n3A_262 : vector<8x128xf32> to vector<1x8x128xf32>
      %reduce_sum3A_264 = arith.constant dense<0.000000e+00> : vector<1xf32>
      %reduce_sum3A_265 = vector.multi_reduction <add>, %reduce_sum3A_263, %reduce_sum3A_264 [1, 2] : vector<1x8x128xf32> to vector<1xf32>
      %reduce_sum3A_266 = vector.shape_cast %reduce_sum3A_265 : vector<1xf32> to vector<1x1x1xf32>
      %reduce_sum3A_267 = vector.extract %reduce_sum3A_266[0, 0, 0] : f32 from vector<1x1x1xf32>
      %gt3A_268 = arith.constant 5.000000e-01 : f32
      %gt3A_269 = vector.broadcast %gt3A_268 : f32 to vector<8x128xf32>
      %gt3A_270 = arith.cmpf ogt, %get3A_257, %gt3A_269 : vector<8x128xf32>
      %gt3A_271 = vector.broadcast %scan3A_252 : i32 to vector<8x128xi32>
      %gt3A_272 = arith.cmpi sgt, %add3A_107, %gt3A_271 : vector<8x128xi32>
      %and3A_273 = arith.andi %gt3A_270, %gt3A_272 : vector<8x128xi1>
      %gt3A_274 = arith.constant 5.000000e-01 : f32
      %gt3A_275 = arith.cmpf ogt, %reduce_sum3A_267, %gt3A_274 : f32
      %and3A_276 = vector.broadcast %gt3A_275 : i1 to vector<8x128xi1>
      %and3A_277 = arith.andi %and3A_273, %and3A_276 : vector<8x128xi1>
      %jit3A_278 = arith.constant 0.000000e+00 : f32
      %broadcast_in_dim3A_279 = vector.broadcast %jit3A_278 : f32 to vector<8x128xf32>
      %select_n3A_280 = arith.select %and3A_277, %broadcast_in_dim3A_279, %select_n3A_250 : vector<8x128xi1>, vector<8x128xf32>
      %scan3A_281 = arith.constant 4 : i32
      %scan3A_282 = arith.addi %scan3A_162, %scan3A_281 : i32
      %get3A_283 = arith.index_cast %scan3A_282 : i32 to index
      %get3A_284 = arith.constant 0 : index
      %get3A_285 = arith.constant 0 : index
      %get3A_286 = vector.load %arg4[%get3A_283, %get3A_284, %get3A_285] : memref<1024x8x128xf32, #tpu.memory_space<vmem>>, vector<1x8x128xf32>
      %get3A_287 = vector.shape_cast %get3A_286 : vector<1x8x128xf32> to vector<8x128xf32>
      %eq3A_288 = vector.broadcast %scan3A_282 : i32 to vector<8x128xi32>
      %eq3A_289 = arith.cmpi eq, %add3A_107, %eq3A_288 : vector<8x128xi32>
      %jit3A_290 = arith.constant 0.000000e+00 : f32
      %broadcast_in_dim3A_291 = vector.broadcast %jit3A_290 : f32 to vector<8x128xf32>
      %select_n3A_292 = arith.select %eq3A_289, %select_n3A_280, %broadcast_in_dim3A_291 : vector<8x128xi1>, vector<8x128xf32>
      %reduce_sum3A_293 = vector.shape_cast %select_n3A_292 : vector<8x128xf32> to vector<1x8x128xf32>
      %reduce_sum3A_294 = arith.constant dense<0.000000e+00> : vector<1xf32>
      %reduce_sum3A_295 = vector.multi_reduction <add>, %reduce_sum3A_293, %reduce_sum3A_294 [1, 2] : vector<1x8x128xf32> to vector<1xf32>
      %reduce_sum3A_296 = vector.shape_cast %reduce_sum3A_295 : vector<1xf32> to vector<1x1x1xf32>
      %reduce_sum3A_297 = vector.extract %reduce_sum3A_296[0, 0, 0] : f32 from vector<1x1x1xf32>
      %gt3A_298 = arith.constant 5.000000e-01 : f32
      %gt3A_299 = vector.broadcast %gt3A_298 : f32 to vector<8x128xf32>
      %gt3A_300 = arith.cmpf ogt, %get3A_287, %gt3A_299 : vector<8x128xf32>
      %gt3A_301 = vector.broadcast %scan3A_282 : i32 to vector<8x128xi32>
      %gt3A_302 = arith.cmpi sgt, %add3A_107, %gt3A_301 : vector<8x128xi32>
      %and3A_303 = arith.andi %gt3A_300, %gt3A_302 : vector<8x128xi1>
      %gt3A_304 = arith.constant 5.000000e-01 : f32
      %gt3A_305 = arith.cmpf ogt, %reduce_sum3A_297, %gt3A_304 : f32
      %and3A_306 = vector.broadcast %gt3A_305 : i1 to vector<8x128xi1>
      %and3A_307 = arith.andi %and3A_303, %and3A_306 : vector<8x128xi1>
      %jit3A_308 = arith.constant 0.000000e+00 : f32
      %broadcast_in_dim3A_309 = vector.broadcast %jit3A_308 : f32 to vector<8x128xf32>
      %select_n3A_310 = arith.select %and3A_307, %broadcast_in_dim3A_309, %select_n3A_280 : vector<8x128xi1>, vector<8x128xf32>
      %scan3A_311 = arith.constant 5 : i32
      %scan3A_312 = arith.addi %scan3A_162, %scan3A_311 : i32
      %get3A_313 = arith.index_cast %scan3A_312 : i32 to index
      %get3A_314 = arith.constant 0 : index
      %get3A_315 = arith.constant 0 : index
      %get3A_316 = vector.load %arg4[%get3A_313, %get3A_314, %get3A_315] : memref<1024x8x128xf32, #tpu.memory_space<vmem>>, vector<1x8x128xf32>
      %get3A_317 = vector.shape_cast %get3A_316 : vector<1x8x128xf32> to vector<8x128xf32>
      %eq3A_318 = vector.broadcast %scan3A_312 : i32 to vector<8x128xi32>
      %eq3A_319 = arith.cmpi eq, %add3A_107, %eq3A_318 : vector<8x128xi32>
      %jit3A_320 = arith.constant 0.000000e+00 : f32
      %broadcast_in_dim3A_321 = vector.broadcast %jit3A_320 : f32 to vector<8x128xf32>
      %select_n3A_322 = arith.select %eq3A_319, %select_n3A_310, %broadcast_in_dim3A_321 : vector<8x128xi1>, vector<8x128xf32>
      %reduce_sum3A_323 = vector.shape_cast %select_n3A_322 : vector<8x128xf32> to vector<1x8x128xf32>
      %reduce_sum3A_324 = arith.constant dense<0.000000e+00> : vector<1xf32>
      %reduce_sum3A_325 = vector.multi_reduction <add>, %reduce_sum3A_323, %reduce_sum3A_324 [1, 2] : vector<1x8x128xf32> to vector<1xf32>
      %reduce_sum3A_326 = vector.shape_cast %reduce_sum3A_325 : vector<1xf32> to vector<1x1x1xf32>
      %reduce_sum3A_327 = vector.extract %reduce_sum3A_326[0, 0, 0] : f32 from vector<1x1x1xf32>
      %gt3A_328 = arith.constant 5.000000e-01 : f32
      %gt3A_329 = vector.broadcast %gt3A_328 : f32 to vector<8x128xf32>
      %gt3A_330 = arith.cmpf ogt, %get3A_317, %gt3A_329 : vector<8x128xf32>
      %gt3A_331 = vector.broadcast %scan3A_312 : i32 to vector<8x128xi32>
      %gt3A_332 = arith.cmpi sgt, %add3A_107, %gt3A_331 : vector<8x128xi32>
      %and3A_333 = arith.andi %gt3A_330, %gt3A_332 : vector<8x128xi1>
      %gt3A_334 = arith.constant 5.000000e-01 : f32
      %gt3A_335 = arith.cmpf ogt, %reduce_sum3A_327, %gt3A_334 : f32
      %and3A_336 = vector.broadcast %gt3A_335 : i1 to vector<8x128xi1>
      %and3A_337 = arith.andi %and3A_333, %and3A_336 : vector<8x128xi1>
      %jit3A_338 = arith.constant 0.000000e+00 : f32
      %broadcast_in_dim3A_339 = vector.broadcast %jit3A_338 : f32 to vector<8x128xf32>
      %select_n3A_340 = arith.select %and3A_337, %broadcast_in_dim3A_339, %select_n3A_310 : vector<8x128xi1>, vector<8x128xf32>
      %scan3A_341 = arith.constant 6 : i32
      %scan3A_342 = arith.addi %scan3A_162, %scan3A_341 : i32
      %get3A_343 = arith.index_cast %scan3A_342 : i32 to index
      %get3A_344 = arith.constant 0 : index
      %get3A_345 = arith.constant 0 : index
      %get3A_346 = vector.load %arg4[%get3A_343, %get3A_344, %get3A_345] : memref<1024x8x128xf32, #tpu.memory_space<vmem>>, vector<1x8x128xf32>
      %get3A_347 = vector.shape_cast %get3A_346 : vector<1x8x128xf32> to vector<8x128xf32>
      %eq3A_348 = vector.broadcast %scan3A_342 : i32 to vector<8x128xi32>
      %eq3A_349 = arith.cmpi eq, %add3A_107, %eq3A_348 : vector<8x128xi32>
      %jit3A_350 = arith.constant 0.000000e+00 : f32
      %broadcast_in_dim3A_351 = vector.broadcast %jit3A_350 : f32 to vector<8x128xf32>
      %select_n3A_352 = arith.select %eq3A_349, %select_n3A_340, %broadcast_in_dim3A_351 : vector<8x128xi1>, vector<8x128xf32>
      %reduce_sum3A_353 = vector.shape_cast %select_n3A_352 : vector<8x128xf32> to vector<1x8x128xf32>
      %reduce_sum3A_354 = arith.constant dense<0.000000e+00> : vector<1xf32>
      %reduce_sum3A_355 = vector.multi_reduction <add>, %reduce_sum3A_353, %reduce_sum3A_354 [1, 2] : vector<1x8x128xf32> to vector<1xf32>
      %reduce_sum3A_356 = vector.shape_cast %reduce_sum3A_355 : vector<1xf32> to vector<1x1x1xf32>
      %reduce_sum3A_357 = vector.extract %reduce_sum3A_356[0, 0, 0] : f32 from vector<1x1x1xf32>
      %gt3A_358 = arith.constant 5.000000e-01 : f32
      %gt3A_359 = vector.broadcast %gt3A_358 : f32 to vector<8x128xf32>
      %gt3A_360 = arith.cmpf ogt, %get3A_347, %gt3A_359 : vector<8x128xf32>
      %gt3A_361 = vector.broadcast %scan3A_342 : i32 to vector<8x128xi32>
      %gt3A_362 = arith.cmpi sgt, %add3A_107, %gt3A_361 : vector<8x128xi32>
      %and3A_363 = arith.andi %gt3A_360, %gt3A_362 : vector<8x128xi1>
      %gt3A_364 = arith.constant 5.000000e-01 : f32
      %gt3A_365 = arith.cmpf ogt, %reduce_sum3A_357, %gt3A_364 : f32
      %and3A_366 = vector.broadcast %gt3A_365 : i1 to vector<8x128xi1>
      %and3A_367 = arith.andi %and3A_363, %and3A_366 : vector<8x128xi1>
      %jit3A_368 = arith.constant 0.000000e+00 : f32
      %broadcast_in_dim3A_369 = vector.broadcast %jit3A_368 : f32 to vector<8x128xf32>
      %select_n3A_370 = arith.select %and3A_367, %broadcast_in_dim3A_369, %select_n3A_340 : vector<8x128xi1>, vector<8x128xf32>
      %scan3A_371 = arith.constant 7 : i32
      %scan3A_372 = arith.addi %scan3A_162, %scan3A_371 : i32
      %get3A_373 = arith.index_cast %scan3A_372 : i32 to index
      %get3A_374 = arith.constant 0 : index
      %get3A_375 = arith.constant 0 : index
      %get3A_376 = vector.load %arg4[%get3A_373, %get3A_374, %get3A_375] : memref<1024x8x128xf32, #tpu.memory_space<vmem>>, vector<1x8x128xf32>
      %get3A_377 = vector.shape_cast %get3A_376 : vector<1x8x128xf32> to vector<8x128xf32>
      %eq3A_378 = vector.broadcast %scan3A_372 : i32 to vector<8x128xi32>
      %eq3A_379 = arith.cmpi eq, %add3A_107, %eq3A_378 : vector<8x128xi32>
      %jit3A_380 = arith.constant 0.000000e+00 : f32
      %broadcast_in_dim3A_381 = vector.broadcast %jit3A_380 : f32 to vector<8x128xf32>
      %select_n3A_382 = arith.select %eq3A_379, %select_n3A_370, %broadcast_in_dim3A_381 : vector<8x128xi1>, vector<8x128xf32>
      %reduce_sum3A_383 = vector.shape_cast %select_n3A_382 : vector<8x128xf32> to vector<1x8x128xf32>
      %reduce_sum3A_384 = arith.constant dense<0.000000e+00> : vector<1xf32>
      %reduce_sum3A_385 = vector.multi_reduction <add>, %reduce_sum3A_383, %reduce_sum3A_384 [1, 2] : vector<1x8x128xf32> to vector<1xf32>
      %reduce_sum3A_386 = vector.shape_cast %reduce_sum3A_385 : vector<1xf32> to vector<1x1x1xf32>
      %reduce_sum3A_387 = vector.extract %reduce_sum3A_386[0, 0, 0] : f32 from vector<1x1x1xf32>
      %gt3A_388 = arith.constant 5.000000e-01 : f32
      %gt3A_389 = vector.broadcast %gt3A_388 : f32 to vector<8x128xf32>
      %gt3A_390 = arith.cmpf ogt, %get3A_377, %gt3A_389 : vector<8x128xf32>
      %gt3A_391 = vector.broadcast %scan3A_372 : i32 to vector<8x128xi32>
      %gt3A_392 = arith.cmpi sgt, %add3A_107, %gt3A_391 : vector<8x128xi32>
      %and3A_393 = arith.andi %gt3A_390, %gt3A_392 : vector<8x128xi1>
      %gt3A_394 = arith.constant 5.000000e-01 : f32
      %gt3A_395 = arith.cmpf ogt, %reduce_sum3A_387, %gt3A_394 : f32
      %and3A_396 = vector.broadcast %gt3A_395 : i1 to vector<8x128xi1>
      %and3A_397 = arith.andi %and3A_393, %and3A_396 : vector<8x128xi1>
      %jit3A_398 = arith.constant 0.000000e+00 : f32
      %broadcast_in_dim3A_399 = vector.broadcast %jit3A_398 : f32 to vector<8x128xf32>
      %select_n3A_400 = arith.select %and3A_397, %broadcast_in_dim3A_399, %select_n3A_370 : vector<8x128xi1>, vector<8x128xf32>
      scf.yield %select_n3A_400 : vector<8x128xf32>
    }
    %scan3A_114 = arith.constant 1024 : i32
    %slice3A_115 = vector.extract_strided_slice %get3A_8 {offsets = [5, 0], sizes = [1, 1024], strides = [1, 1]} : vector<8x1024xf32> to vector<1x1024xf32>
    %reshape3A_116 = vector.shape_cast %scan3A_113 : vector<8x128xf32> to vector<1x1024xf32>
    %gt3A = arith.constant -5.000000e+08 : f32
    %gt3A_117 = vector.broadcast %gt3A : f32 to vector<1x1024xf32>
    %gt3A_118 = arith.cmpf ogt, %slice3A_115, %gt3A_117 : vector<1x1024xf32>
    %convert_element_type3A = arith.extui %gt3A_118 : vector<1x1024xi1> to vector<1x1024xi32>
    %convert_element_type3A_119 = arith.sitofp %convert_element_type3A : vector<1x1024xi32> to vector<1x1024xf32>
    %mul3A_120 = arith.mulf %reshape3A_116, %convert_element_type3A_119 : vector<1x1024xf32>
    %iota3A_121 = tpu.iota {dimensions = array<i32: 0>} : vector<1024x1024xi32>
    %iota3A_122 = tpu.iota {dimensions = array<i32: 1>} : vector<1024x1024xi32>
    %le3A = arith.cmpi sle, %iota3A_121, %iota3A_122 : vector<1024x1024xi32>
    %convert_element_type3A_123 = arith.extui %le3A : vector<1024x1024xi1> to vector<1024x1024xi32>
    %convert_element_type3A_124 = arith.sitofp %convert_element_type3A_123 : vector<1024x1024xi32> to vector<1024x1024xf32>
    %dot_general3A = arith.constant dense<0.000000e+00> : vector<1x1024xf32>
    %dot_general3A_125 = tpu.matmul %mul3A_120, %convert_element_type3A_124, %dot_general3A {dimension_numbers = #tpu.dot_dimension_numbers<[1], [0], [0], [1], [0, 0, 1, 1], [], []>, transpose_lhs_hint = false} : vector<1x1024xf32>, vector<1024x1024xf32>, vector<1x1024xf32> -> vector<1x1024xf32>
    %sub3A_126 = arith.constant 1.000000e+00 : f32
    %sub3A_127 = vector.broadcast %sub3A_126 : f32 to vector<1x1024xf32>
    %sub3A_128 = arith.subf %dot_general3A_125, %sub3A_127 : vector<1x1024xf32>
    %iota3A_129 = tpu.iota {dimensions = array<i32: 0>} : vector<384x1xi32>
    %convert_element_type3A_130 = arith.sitofp %iota3A_129 : vector<384x1xi32> to vector<384x1xf32>
    %eq3A_131 = vector.broadcast %convert_element_type3A_130 : vector<384x1xf32> to vector<384x1024xf32>
    %eq3A_132 = vector.broadcast %sub3A_128 : vector<1x1024xf32> to vector<384x1024xf32>
    %eq3A_133 = arith.cmpf oeq, %eq3A_131, %eq3A_132 : vector<384x1024xf32>
    %gt3A_134 = arith.constant 5.000000e-01 : f32
    %gt3A_135 = vector.broadcast %gt3A_134 : f32 to vector<1x1024xf32>
    %gt3A_136 = arith.cmpf ogt, %mul3A_120, %gt3A_135 : vector<1x1024xf32>
    %and3A = vector.broadcast %gt3A_136 : vector<1x1024xi1> to vector<384x1024xi1>
    %and3A_137 = arith.andi %eq3A_133, %and3A : vector<384x1024xi1>
    %convert_element_type3A_138 = arith.extui %and3A_137 : vector<384x1024xi1> to vector<384x1024xi32>
    %convert_element_type3A_139 = arith.sitofp %convert_element_type3A_138 : vector<384x1024xi32> to vector<384x1024xf32>
    %slice3A_140 = vector.extract_strided_slice %get3A_3 {offsets = [0, 6], sizes = [1024, 1], strides = [1, 1]} : vector<1024x8xf32> to vector<1024x1xf32>
    %add3A_141 = arith.constant 1.000000e+00 : f32
    %add3A_142 = vector.broadcast %add3A_141 : f32 to vector<1024x1xf32>
    %add3A_143 = arith.addf %slice3A_140, %add3A_142 : vector<1024x1xf32>
    %slice3A_144 = vector.extract_strided_slice %get3A_3 {offsets = [0, 0], sizes = [1024, 6], strides = [1, 1]} : vector<1024x8xf32> to vector<1024x6xf32>
    %slice3A_145 = vector.extract_strided_slice %get3A_3 {offsets = [0, 7], sizes = [1024, 1], strides = [1, 1]} : vector<1024x8xf32> to vector<1024x1xf32>
    %concatenate3A = tpu.concatenate %slice3A_144, %add3A_143, %slice3A_145 in 1 : vector<1024x6xf32>, vector<1024x1xf32>, vector<1024x1xf32> -> vector<1024x8xf32>
    %dot_general3A_146 = arith.constant dense<0.000000e+00> : vector<384x8xf32>
    %dot_general3A_147 = tpu.matmul %convert_element_type3A_139, %concatenate3A, %dot_general3A_146 {dimension_numbers = #tpu.dot_dimension_numbers<[1], [0], [0], [1], [0, 0, 1, 1], [], []>, transpose_lhs_hint = false} : vector<384x1024xf32>, vector<1024x8xf32>, vector<384x8xf32> -> vector<384x8xf32>
    %iota3A_148 = tpu.iota {dimensions = array<i32: 1>} : vector<384x8xi32>
    %eq3A_149 = arith.constant 6 : i32
    %eq3A_150 = vector.broadcast %eq3A_149 : i32 to vector<384x8xi32>
    %eq3A_151 = arith.cmpi eq, %iota3A_148, %eq3A_150 : vector<384x8xi32>
    %sub3A_152 = arith.constant 1.000000e+00 : f32
    %sub3A_153 = vector.broadcast %sub3A_152 : f32 to vector<384x8xf32>
    %sub3A_154 = arith.subf %dot_general3A_147, %sub3A_153 : vector<384x8xf32>
    %select_n3A_155 = arith.select %eq3A_151, %sub3A_154, %dot_general3A_147 : vector<384x8xi1>, vector<384x8xf32>
    %swap3A_156 = arith.constant 0 : index
    %swap3A_157 = arith.constant 0 : index
    %swap3A_158 = arith.constant 0 : index
    %swap3A_159 = vector.load %arg3[%swap3A_156, %swap3A_157, %swap3A_158] : memref<1x384x8xf32, #tpu.memory_space<vmem>>, vector<1x384x8xf32>
    %swap3A_160 = vector.shape_cast %swap3A_159 : vector<1x384x8xf32> to vector<384x8xf32>
    %swap3A_161 = vector.shape_cast %select_n3A_155 : vector<384x8xf32> to vector<1x384x8xf32>
    tpu.vector_store %arg3[%swap3A_156, %swap3A_157, %swap3A_158], %swap3A_161 {strides = array<i32>} : memref<1x384x8xf32, #tpu.memory_space<vmem>>, vector<1x384x8xf32>,
    return
  }
  func.func @transform_0(%arg0: i32) -> (i32, i32, i32) {
    %c0_i32 = arith.constant 0 : i32
    %c0_i32_0 = arith.constant 0 : i32
    %c0_i32_1 = arith.constant 0 : i32
    return %arg0, %c0_i32, %c0_i32_0 : i32, i32, i32
  }
  func.func @transform_1(%arg0: i32) -> (i32, i32, i32) {
    %c0_i32 = arith.constant 0 : i32
    %c0_i32_0 = arith.constant 0 : i32
    %c0_i32_1 = arith.constant 0 : i32
    return %arg0, %c0_i32, %c0_i32_0 : i32, i32, i32
  }
  func.func @transform_2(%arg0: i32) -> (i32, i32, i32) {
    %c0_i32 = arith.constant 0 : i32
    %c0_i32_0 = arith.constant 0 : i32
    %c0_i32_1 = arith.constant 0 : i32
    return %arg0, %c0_i32, %c0_i32_0 : i32, i32, i32
  }
}

</mosaic_0001>

<sc_bundles>
// kernel: gather_offload_async_start.1
scs
__scs_entry_jumppad:
0x0: {  	(pc) =	sbr.rel $0x88, $3  }
0x1: {  	(tag) =	ssettag $0x0;
	lr =	simm.s32 $0x1  }
0x2: {  	[smem:$0x3F9E] =	sst lr;
	_ =	strace $0xD0000000  }
0x3: {  	_ = 	snop  }
0x4: {  	_ = 	snop  }
0x5: {  	_ = 	snop  }
0x6: {  	_ = 	snop  }
0x7: {  	_ = 	snop  }
__scs_overlays_trampoline_lowered:
0x8: {  	[smem:$0x3FAD] =	sst s0  }
0x9: {  	[smem:$0x3FAE] =	sst s1  }
0xa: {  	[smem:$0x3FAF] =	sst s2  }
0xb: {  	[smem:$0x3FB0] =	sst s3  }
0xc: {  	[smem:$0x3FB1] =	sst s4  }
0xd: {  	[smem:$0x3FB2] =	sst s5  }
0xe: {  	[smem:$0x3FB3] =	sst s6  }
0xf: {  	[smem:$0x3FB4] =	sst s7  }
0x10: {  	[smem:$0x3FB5] =	sst s8  }
0x11: {  	[smem:$0x3FB6] =	sst s9;
	s0 =	simm.s32 @!p0 $0x0  }
0x12: {  	s1 =	sld [smem:$0x3F9C];
	s0 =	simm.s32 @p0 $0x1  }
0x13: {  	[smem:$0x3FB7] =	sst s0;
	s0 =	simm.s32 @!p1 $0x0  }
0x14: {  	s2 =	sld [smem:$0x3F9B];
	s0 =	simm.s32 @p1 $0x1  }
0x15: {  	[smem:$0x3FB8] =	sst s0;
	s0 =	simm.s32 @!p2 $0x0  }
0x16: {  	s3 =	sld [smem:$0x3FDB];
	s0 =	simm.s32 @p2 $0x1  }
0x17: {  	s4 =	simm.s32 $0x1BF5;
	[smem:$0x3FBA] =	sst s0  }
0x18: {  	s0 =	sld [smem:$0x3F9D];
	_ =	swait.ge [sflag:s4], $0x0  }
0x19: {  	s7 =	sld [smem:$0x3F9E]  }
0x1a: {  	s8 =	sadd.s32 $0xFFFFE003, lr  }
0x1b: {  	s9 =	sadd.s32 $0xFFFFFEF7, lr;
	s5 =	simm.s32 $0xFFFFFFFF;
	p2 =	slt.u32 s8, $0xFFFFF086  }
0x1c: {  	p1 =	slt.u32 s9, $0xF7A;
	s5 =	simm.s32 @!p2 $0x0  }
0x1d: {  	s5 =	simm.s32 @p1 $0x1;
	p0 =	seq.s32 s7, s2  }
0x1e: {  	s7 =	smul.u32 @!p0 $0xF7A, s2;
	p2 =	seq.s32 @!p0 s5, $0x0  }
0x1f: {  	s9 =	smul.u32 $0xF7A, s1;
	s8 =	simm.s32 @!p0 $0x1BF5;
	p2 =	por !p2, p0  }
0x20: {  	[sflag:s8] =	ssyncset.s32 @!p0 $0xFFFFF086;
	s6 =	sadd.s32 @!p0 s3, s7;
	s7 =	simm.s32 @!p0 $0x108  }
0x21: {  	s3 =	sadd.s32 s3, s9;
	s6 =	sadd.s32 @!p0 $0x88, s6;
	s7 =	simm.s32 @p2 $0x1082  }
0x22: {  	[simem:s7], [sflag:s8] =	dma.local @!p0 [hbm:s6], $0xF7A  }
0x23: {  	s9 =	sor.u32 $0xD0000000, s2;
	s6 =	simm.s32 $0x108;
	_ =	swait.ge @!p0 [sflag:s8], $0x0  }
0x24: {  	s3 =	sadd.s32 $0x88, s3;
	s6 =	simm.s32 @!p1 $0x1082;
	[sflag:s4] =	ssyncset.s32 $0xFFFFF086  }
0x25: {  	[simem:s6], [sflag:s4] =	dma.local [hbm:s3], $0xF7A  }
0x26: {  	[smem:$0x3F9E] =	sst s1;
	(tag) =	ssettag s2;
	_ =	strace s9  }
0x27: {  	s1 =	sld [smem:$0x3FAE]  }
0x28: {  	s2 =	sld [smem:$0x3FAF]  }
0x29: {  	s4 =	sld [smem:$0x3FB1]  }
0x2a: {  	p0 =	seq.s32 s5, $0x0;
	s5 =	sld [smem:$0x3FB2]  }
0x2b: {  	s6 =	sld [smem:$0x3FB3]  }
0x2c: {  	s7 =	sld [smem:$0x3FB4]  }
0x2d: {  	s3 =	simm.s32 $0x108;
	s8 =	sld [smem:$0x3FB5]  }
0x2e: {  	s3 =	simm.s32 @!p0 $0x1082;
	s9 =	sld [smem:$0x3FB6]  }
0x2f: {  	lr =	sadd.s32 s0, s3;
	s0 =	sld [smem:$0x3FAD]  }
0x30: {  	s3 =	sld [smem:$0x3FB0]  }
0x31: {  	[smem:$0x3FB9] =	sst s10  }
0x32: {  	s10 =	sld [smem:$0x3FB7];
	_ =	sdelay $0x3  }
0x33: {  	p0 =	seq.s32 s10, $0x1;
	s10 =	sld [smem:$0x3FB9];
	_ =	sdelay $0x3  }
0x34: {  	[smem:$0x3FB9] =	sst s10  }
0x35: {  	s10 =	sld [smem:$0x3FB8];
	_ =	sdelay $0x3  }
0x36: {  	p1 =	seq.s32 s10, $0x1;
	s10 =	sld [smem:$0x3FB9];
	_ =	sdelay $0x3  }
0x37: {  	[smem:$0x3FB9] =	sst s10  }
0x38: {  	s10 =	sld [smem:$0x3FBA]  }
0x39: {  	_ = 	snop;
	(pc) =	sbr.ind lr, $3  }
0x3a: {  	_ = 	snop  }
0x3b: {  	_ = 	snop  }
0x3c: {  	p2 =	seq.s32 s10, $0x1;
	s10 =	sld [smem:$0x3FB9]  }
0x3d: {  	_ =	shalt  }
0x3e: {  	_ =	shalt  }
0x3f: {  	_ =	shalt  }
0x40: {  	_ =	shalt  }
0x41: {  	_ =	shalt  }
0x42: {  	_ =	shalt  }
0x43: {  	_ =	shalt  }
0x44: {  	_ =	shalt  }
0x45: {  	_ =	shalt  }
0x46: {  	_ =	shalt  }
0x47: {  	_ =	shalt  }
0x48: {  	_ =	shalt  }
0x49: {  	_ =	shalt  }
0x4a: {  	_ =	shalt  }
0x4b: {  	_ =	shalt  }
0x4c: {  	_ =	shalt  }
0x4d: {  	_ =	shalt  }
0x4e: {  	_ =	shalt  }
0x4f: {  	_ =	shalt  }
0x50: {  	_ =	shalt  }
0x51: {  	_ =	shalt  }
0x52: {  	_ =	shalt  }
0x53: {  	_ =	shalt  }
0x54: {  	_ =	shalt  }
0x55: {  	_ =	shalt  }
0x56: {  	_ =	shalt  }
0x57: {  	_ =	shalt  }
0x58: {  	_ =	shalt  }
0x59: {  	_ =	shalt  }
0x5a: {  	_ =	shalt  }
0x5b: {  	_ =	shalt  }
0x5c: {  	_ =	shalt  }
0x5d: {  	_ =	shalt  }
0x5e: {  	_ =	shalt  }
0x5f: {  	_ =	shalt  }
0x60: {  	_ =	shalt  }
0x61: {  	_ =	shalt  }
0x62: {  	_ =	shalt  }
0x63: {  	_ =	shalt  }
0x64: {  	_ =	shalt  }
0x65: {  	_ =	shalt  }
0x66: {  	_ =	shalt  }
0x67: {  	_ =	shalt  }
0x68: {  	_ =	shalt  }
0x69: {  	_ =	shalt  }
0x6a: {  	_ =	shalt  }
0x6b: {  	_ =	shalt  }
0x6c: {  	_ =	shalt  }
0x6d: {  	_ =	shalt  }
0x6e: {  	_ =	shalt  }
0x6f: {  	_ =	shalt  }
0x70: {  	_ =	shalt  }
0x71: {  	_ =	shalt  }
0x72: {  	_ =	shalt  }
0x73: {  	_ =	shalt  }
0x74: {  	_ =	shalt  }
0x75: {  	_ =	shalt  }
0x76: {  	_ =	shalt  }
0x77: {  	_ =	shalt  }
0x78: {  	_ =	shalt  }
0x79: {  	_ =	shalt  }
0x7a: {  	_ =	shalt  }
0x7b: {  	_ =	shalt  }
0x7c: {  	_ =	shalt  }
0x7d: {  	_ =	shalt  }
0x7e: {  	_ =	shalt  }
0x7f: {  	_ =	shalt  }
0x80: {  	_ =	shalt  }
0x81: {  	_ =	shalt  }
0x82: {  	_ =	shalt  }
0x83: {  	_ =	shalt  }
0x84: {  	_ =	shalt  }
0x85: {  	_ =	shalt  }
0x86: {  	_ =	shalt  }
0x87: {  	_ =	shalt  }
.Lfunc_end0:
.L_simem_size_0:
called_computation.1_lowered:
.L_overlay_start_0:
0x88: {  	s2 =	sld [smem:$0x3FD9]  }
0x89: {  	s3 =	sld [smem:$0x3FFE];
	_ =	sdelay $0x1  }
0x8a: {  	s1 =	srdreg.scid  }
0x8b: {  	s0 =	sand.u32 $0x1, s1  }
0x8c: {  	s14 =	sshll.u32 s0, $0xA;
	s2 =	sadd.s32 s3, s2  }
0x8d: {  	s2 =	sadd.s32 s2, s14  }
0x8e: {  	[smem:$0x3FC5] =	sst s2  }
0x8f: {  	_ = 	snop  }
0x90: {  	s2 =	sld [smem:$0x3FD0];
	_ =	sdelay $0x2  }
0x91: {  	s4 =	simm.s32 $0xA;
	s5 =	simm.s32 $0x10;
	s15 =	sld [smem:$0x3FC7]  }
0x92: {  	[smem:s5], [sflag:s4] =	dma.local [hbm:s2], $0x1  }
0x93: {  	_ =	swait.eq [sflag:s4], $0x1  }
0x94: {  	[sflag:s4] =	ssyncset.done $0x0  }
0x95: {  	[sflag:s4] =	ssyncadd.s32 $0xFFFFFFFF  }
0x96: {  	s16 =	sld [smem:$0x10];
	(tm) =	ssettm $0x1  }
0x97: {  	s17 =	sld [smem:$0x3FFB];
	_ =	sdelay $0x3  }
0x98: {  	_ =	strace s17  }
0x99: {  	s4 =	sld [smem:$0x3FFC];
	_ =	sdelay $0x3  }
0x9a: {  	_ =	strace s4  }
0x9b: {  	s4 =	sld [smem:$0x3FFD];
	_ =	sdelay $0x3  }
0x9c: {  	_ =	strace s4  }
0x9d: {  	_ =	strace $0x8FFFFFFF  }
0x9e: {  	s18 =	sld [smem:$0x3FDB];
	_ =	sdelay $0x1  }
0x9f: {  	s19 =	simm.s32 $_scs_section_size  }
0xa0: {  	s6 =	simm.s32 $_size__tile_overlayer_lowered;
	s7 =	simm.s32 $_tile_overlayer_lowered  }
0xa1: {  	s22 =	simm.s32 $0x1BFF;
	s21 =	sshll.u32 s7, $0x1;
	s4 =	sadd.s32 s19, s18  }
0xa2: {  	s8 =	simm.s32 $0x0;
	s20 =	sshll.u32 s6, $0x1;
	s6 =	sadd.s32 s21, s4  }
0xa3: {  	[timem:s8], [sflag:s22] =	dma.local [hbm:s6], s20  }
0xa4: {  	_ =	swait.ge [sflag:s22], s20  }
0xa5: {  	s5 =	ssub.s32 $0x0, s20;
	[sflag:s22] =	ssyncset.done $0x0  }
0xa6: {  	[sflag:s22] =	ssyncadd.s32 s5;
	_ =	sdelay $0x1  }
0xa7: {  	s23 =	simm.s32 $0x1B8B  }
0xa8: {  	_ =	swait.ge [sflag:s23], $0x1  }
0xa9: {  	[sflag:s23] =	ssyncset.done $0x0  }
0xaa: {  	s25 =	simm.s32 $0x1B8E;
	s24 =	sld [smem:$0x3FFE];
	[sflag:s23] =	ssyncadd.s32 $0xFFFFFFFF  }
0xab: {  	s26 =	simm.s32 $execute0_lowered;
	[smem:$0x3FD2] =	sst s25  }
0xac: {  	s6 =	sshll.u32 s26, $0x1;
	_ =	strace $0x80000046;
	[dreg:$0x1] =	wrdreg $0xFFFFFFFF  }
0xad: {  	s28 =	simm.s32 $_size_execute0_lowered;
	s4 =	sadd.s32 s4, s6;
	[dreg:$0x0] =	wrdreg $0x0  }
0xae: {  	s6 =	sshll.u32 s28, $0x1;
	[dreg:$0x2] =	wrdreg s4  }
0xaf: {  	[dreg:$0x3] =	wrdreg s6  }
0xb0: {  	[dreg:$0x4] =	wrdreg $0xC0  }
0xb1: {  	_ =	task [dreg:s8], $0x5FFFF  }
0xb2: {  	[dreg:$0x1] =	wrdreg $0xFFFFFFFF  }
0xb3: {  	[dreg:$0x0] =	wrdreg $0x60  }
0xb4: {  	[dreg:$0x2] =	wrdreg s15  }
0xb5: {  	[dreg:$0x3] =	wrdreg s16  }
0xb6: {  	[dreg:$0x4] =	wrdreg s24  }
0xb7: {  	[dreg:$0x5] =	wrdreg $0x9  }
0xb8: {  	_ =	task.clear_ibuf [dreg:s8], $0x6FFFF;
	_ =	strace $0x90000046  }
0xb9: {  	s29 =	simm.s32 $0x9;
	_ =	strace $0x80000048  }
0xba: {  	_ =	swait.ge [sflag:s29], $0x1  }
0xbb: {  	[sflag:s29] =	ssyncadd.s32 $0xFFFFFFFF  }
0xbc: {  	_ =	strace $0x90000048  }
0xbd: {  	_ =	sfence  }
0xbe: {  	s30 =	sld [smem:$0x0];
	_ =	sdelay $0x2  }
0xbf: {  	s31 =	sshll.u32 s1, $0xD;
	s1 =	sshrl.u32 s1, $0x2  }
0xc0: {  	s3 =	sand.u32 $0x4000, s31;
	s1 =	sadd.s32 s1, s30  }
0xc1: {  	s0 =	sor.u32 s3, s0;
	s1 =	sshll.u32 s1, $0x11  }
0xc2: {  	s0 =	sor.u32 s1, s0  }
0xc3: {  	s0 =	sadd.s32 $0x8F2B, s0  }
0xc4: {  	[sflag:s0] =	ssyncadd.remote.s32 $0x1  }
0xc5: {  	_ =	sfence.sel $0xFFFF  }
0xc6: {  	[dreg:$0x0] =	wrdreg $0xFFFFFFFF;
	(pc) =	sbr.abs _section_cstart, $3  }
0xc7: {  	[dreg:$0x1] =	wrdreg $0xFFFFFFFF  }
0xc8: {  	_ =	task.clear_ibuf [dreg:s8], $0x2FFFF;
	_ =	strace $0x9FFFFFFF  }
0xc9: {  	(tm) =	ssettm $0x7FFFFFFF  }
tec
execute0_lowered:
.L_overlay_start_1:
0x0: {  	(tag) =	ssettag $0x1  }
0x1: {  	s2 =	rddreg [dreg:$0x0]  }
0x2: {  	s3 =	rddreg [dreg:$0x1]  }
0x3: {  	s0 =	stileid.u32;
	s1 =	srdreg.scid  }
0x4: {  	s8 =	rddreg [dreg:$0x2];
	s9 =	simm.s32 $0x1;
	s10 =	simm.s32 $0x3  }
0x5: {  	s13 =	simm.s32 $0x0;
	s4 =	sand.u32 $0x1, s1;
	s5 =	sshll.u32 s0, $0x1  }
0x6: {  	s12 =	simm.s32 $0x0;
	s1 =	rddreg [dreg:$0x3];
	s6 =	sor.u32 s5, s4  }
0x7: {  	_ =	strace $0x80000047;
	s8 =	sadd.s32 $0x271000, s8;
	s4 =	smul.u32 $0xA0, s6  }
0x8: {  	s5 =	simm.s32 $0x1;
	p0 =	slt.u32 s6, $0x13;
	s6 =	simm.s32 $0x1400  }
.Ltmp0:
0x9: {  	s6 =	simm.s32 @!p0 $0x0;
	s7 =	ssub.s32 $0x1F40, s4;
	(pc) =	sbr.rel .LBB2_1-.Ltmp0, $4  }
0xa: {  	s9 =	simm.s32 @!p0 $0x0;
	p0 =	sne.s32 s7, s6;
	s7 =	simm.s32 $0x1  }
0xb: {  	[sflag:s5] =	ssyncpa.u1 $0x0;
	s6 =	simm.s32 $0x2;
	s7 =	simm.s32 @!p0 $0x0  }
0xc: {  	s11 =	smov.u32 s4;
	[sflag:s6] =	ssyncpa.u1 $0x0;
	s7 =	sadd.s32 s9, s7  }
0xd: {  	vm0 =	vmmov $0xffff;
	[sflag:s10] =	ssyncpa.u1 $0x0;
	s10 =	simm.s32 $0x0;
	s9 =	sadd.s32 $0x1, s7  }
.LBB2_4:
0xe: {  	vm1 =	veq.s32 v4, $0x80000000;
	v56 =	vand.u32 $0x7, v4;
	v6 =	vand.u32 $0x7FFF, v6  }
0xf: {  	v2 =	vor.u32 v2, v5;
	v59 =	vshrl.u32 v1, $0x3;
	v60 =	vand.u32 $0x7, v1  }
0x10: {  	v4 =	vsel vm1, $0xFFFFFFFF, v56;
	v6 =	vsel vm1, $0xFFFFFFFF, v6;
	v2 =	vor.u32 v3, v2  }
0x11: {  	vm1 =	veq.s32 v1, $0x80000000;
	v5 =	vand.u32 $0x7FFF, v59;
	v7 =	vshrl.u32 v4, $0x3  }
0x12: {  	v57 =	vshll.u32 v6, $0x3;
	v4 =	vshll.u32 v4, $0x7;
	v1 =	vsel vm1, $0xFFFFFFFF, v60  }
0x13: {  	v5 =	vsel vm1, $0xFFFFFFFF, v5;
	v6 =	vand.u32 $0x7F, v6;
	v7 =	vmul.u32 $0x27400, v7  }
0x14: {  	v58 =	vand.u32 $0xFFFFFC00, v57;
	v4 =	vand.u32 $0x380, v4;
	v61 =	vshrl.u32 v1, $0x3  }
0x15: {  	v62 =	vshll.u32 v5, $0x3;
	v3 =	vadd.s32 v7, v58;
	v7 =	vmul.u32 $0x27400, v61  }
0x16: {  	v1 =	vshll.u32 v1, $0x7;
	v3 =	vor.u32 v4, v3;
	v4 =	vand.u32 $0xFFFFFC00, v62  }
0x17: {  	v1 =	vand.u32 $0x380, v1;
	v3 =	vor.u32 v6, v3;
	v4 =	vadd.s32 v7, v4  }
0x18: {  	[tilespmem:s16], [sflag:$0x1] =	stream.indirect_vreg.gather [hbm4b:s2+s10], $0x1, v0, vm0, $0x4038;
	v63 =	vand.u32 $0x7F, v5;
	v1 =	vor.u32 v1, v4;
	[tilespmem:$0x280] =	vst v63  }
0x19: {  	s15 =	sadd.s32 $0x10, s15;
	(ifvalue) =	ssetifvalue $0x7FFFFFFF;
	v0 =	vor.u32 v63, v1  }
0x1a: {  	[tilespmem:s15], [sflag:$0x1] =	stream.indirect_vreg.gather [hbm4b:s2+s10], $0x1, v2, vm0, $0x4038;
	[tilespmem:$0x280] =	vst v63  }
0x1b: {  	s15 =	sadd.s32 $0x10, s15;
	(ifvalue) =	ssetifvalue $0x7FFFFFFF  }
0x1c: {  	[tilespmem:s15], [sflag:$0x1] =	stream.indirect_vreg.gather [hbm4b:s2+s10], $0x1, v3, vm0, $0x4038;
	[tilespmem:$0x280] =	vst v63  }
0x1d: {  	s15 =	sadd.s32 $0x10, s15;
	(ifvalue) =	ssetifvalue $0x7FFFFFFF  }
0x1e: {  	[tilespmem:s15], [sflag:$0x1] =	stream.indirect_vreg.gather [hbm4b:s2+s10], $0x1, v0, vm0, $0x4038;
	[tilespmem:$0x280] =	vst v63  }
0x1f: {  	_ =	swait.ge [sflag:s5], $0xA0  }
0x20: {  	s30 =	sshrl.u32 s13, $0x3;
	[sflag:s5] =	ssyncset.done $0x0  }
0x21: {  	s31 =	sand.u32 $0x7, s13;
	s15 =	sadd.s32 s8, s30;
	[sflag:s5] =	ssyncadd.s32 $0xFFFFFF60  }
0x22: {  	[hbm4b:s15+s31] =	stream.linear.scatter [tilespmem:s14], [sflag:$0x3], $0xA0, $0x38;
	[tilespmem:$0x280] =	vst v63  }
.LBB2_5:
0x23: {  	s15 =	sadd.s32 $0x1400, s11  }
0x24: {  	p1 =	sgt.s32 s15, $0x1F3F  }
0x25: {  	s15 =	smov.u32 @p1 s4;
	p1 =	sne.s32 s12, s9  }
.Ltmp1:
0x26: {  	p0 =	slt.u32 s12, $0x2;
	(pc) =	sbr.rel @!p1 .LBB2_6-.Ltmp1, $4  }
0x27: {  	s14 =	simm.s32 @!p0 $0x3  }
0x28: {  	_ =	swait.ge @!p0 [sflag:s14], $0xA0  }
0x29: {  	s16 =	sadd.s32 $0x1, s12;
	s13 =	smov.u32 s11;
	[sflag:s14] =	ssyncset.done @!p0 $0x0  }
0x2a: {  	s12 =	smov.u32 s16;
	s11 =	smov.u32 s15;
	[sflag:s14] =	ssyncadd.s32 @!p0 $0xFFFFFF60  }
.LBB2_1:
0x2b: {  	p0 =	sge.u32 s12, s7  }
0x2c: {  	s14 =	sxor.u32 @!p0 $0x1, s12  }
0x2d: {  	s14 =	smul.u32 @!p0 $0x280, s14  }
0x2e: {  	s31 =	sadd.s32 $0xFFFFFFFF, s12;
	s15 =	sshrl.u32 @!p0 s11, $0x3  }
0x2f: {  	s16 =	sand.u32 @!p0 $0x7, s11;
	s15 =	sadd.s32 @!p0 s3, s15;
	s14 =	sshra.s32 @!p0 s14, $0x2  }
0x30: {  	[tilespmem:s14], [sflag:$0x2] =	stream.linear.gather @!p0 [hbm4b:s15+s16], $0xA0, $0x38;
	[tilespmem:$0x280] =	vst v63  }
0x31: {  	p0 =	sge.u32 s31, s7  }
.Ltmp2:
0x32: {  	_ = 	snop;
	(pc) =	sbr.rel @p0 .LBB2_5-.Ltmp2, $1  }
0x33: {  	_ =	sdelay $0x3  }
0x34: {  	s14 =	sand.u32 $0x1, s12  }
0x35: {  	_ =	swait.ge [sflag:s6], $0xA0;
	p0 =	seq.s32 s14, $0x1;
	s14 =	simm.s32 $0xA0  }
0x36: {  	[sflag:s6] =	ssyncset.done $0x0;
	s14 =	simm.s32 @!p0 $0x0  }
0x37: {  	[sflag:s6] =	ssyncadd.s32 $0xFFFFFF60;
	(ifvalue) =	ssetifvalue $0x7FFFFFFF;
	v0 =	vld.msk [tilespmem:s14+$0x0 ss:$0x1], $0xffff  }
0x38: {  	s15 =	sadd.s32 $0x10, s14  }
0x39: {  	v1 =	vld.msk [tilespmem:s15+$0x0 ss:$0x1], $0xffff;
	_ =	sdelay $0x2  }
0x3a: {  	v2 =	vshrl.u32 v0, $0x3  }
0x3b: {  	vm1 =	veq.s32 v0, $0x80000000;
	v0 =	vand.u32 $0x7, v0;
	v2 =	vand.u32 $0x7FFF, v2  }
0x3c: {  	v0 =	vsel vm1, $0xFFFFFFFF, v0;
	v6 =	vshrl.u32 v1, $0x3;
	v2 =	vsel vm1, $0xFFFFFFFF, v2  }
0x3d: {  	v3 =	vshrl.u32 v0, $0x3;
	v0 =	vshll.u32 v0, $0x7;
	vm1 =	veq.s32 v1, $0x80000000  }
0x3e: {  	s15 =	sadd.s32 $0x10, s15;
	v1 =	vand.u32 $0x7, v1;
	v4 =	vshll.u32 v2, $0x3;
	v3 =	vmul.u32 $0x27400, v3  }
0x3f: {  	v0 =	vand.u32 $0x380, v0;
	v7 =	vand.u32 $0x7F, v2;
	v5 =	vand.u32 $0xFFFFFC00, v4;
	v4 =	vld.msk [tilespmem:s15+$0x0 ss:$0x1], $0xffff  }
0x40: {  	v1 =	vsel vm1, $0xFFFFFFFF, v1;
	v2 =	vadd.s32 v3, v5;
	v3 =	vand.u32 $0x7FFF, v6  }
0x41: {  	v3 =	vsel vm1, $0xFFFFFFFF, v3;
	v0 =	vor.u32 v0, v2;
	v2 =	vshrl.u32 v1, $0x3  }
0x42: {  	v1 =	vshll.u32 v1, $0x7;
	v5 =	vshll.u32 v3, $0x3;
	v8 =	vmul.u32 $0x27400, v2  }
0x43: {  	s18 =	simm.s32 $0x30;
	s14 =	sor.u32 $0x140, s14;
	s17 =	sadd.s32 $0x10, s15;
	v2 =	vand.u32 $0x380, v1;
	v0 =	vor.u32 v7, v0;
	v5 =	vand.u32 $0xFFFFFC00, v5  }
0x44: {  	s16 =	smov.u32 s14;
	s15 =	smov.u32 s14;
	v1 =	vld.msk [tilespmem:s17+$0x0 ss:$0x1], $0xffff;
	v3 =	vand.u32 $0x7F, v3;
	(ifvalue) =	ssetifvalue $0x7FFFFFFF;
	v6 =	vshrl.u32 v4, $0x3;
	v5 =	vadd.s32 v8, v5  }
.LBB2_3:
0x45: {  	s18 =	sadd.s32 $0x10, s18  }
0x46: {  	vm1 =	veq.s32 v4, $0x80000000;
	v4 =	vand.u32 $0x7, v4;
	v6 =	vand.u32 $0x7FFF, v6;
	s15 =	sadd.s32 $0x10, s15;
	p0 =	slt.u32 s18, $0x90  }
.Ltmp3:
0x47: {  	v5 =	vor.u32 v2, v5;
	v4 =	vsel vm1, $0xFFFFFFFF, v4;
	v7 =	vsel vm1, $0xFFFFFFFF, v6;
	(pc) =	sbr.rel @p0 .LBB2_3-.Ltmp3, $4  }
0x48: {  	v2 =	vshrl.u32 v4, $0x3;
	v6 =	vshll.u32 v7, $0x3;
	v4 =	vshll.u32 v4, $0x7;
	[tilespmem:s16], [sflag:$0x1] =	stream.indirect_vreg.gather [hbm4b:s2+s10], $0x1, v0, vm0, $0x4038;
	[tilespmem:$0x280] =	vst v63  }
0x49: {  	v0 =	vor.u32 v3, v5;
	s16 =	smov.u32 s15;
	v8 =	vmul.u32 $0x27400, v2;
	v2 =	vand.u32 $0x380, v4  }
0x4a: {  	s17 =	sadd.s32 $0x10, s17;
	v9 =	vand.u32 $0xFFFFFC00, v6  }
0x4b: {  	v3 =	vand.u32 $0x7F, v7;
	v6 =	vshrl.u32 v1, $0x3;
	v5 =	vadd.s32 v8, v9;
	(ifvalue) =	ssetifvalue $0x7FFFFFFF;
	v4 =	vmovc v1;
	v1 =	vld.msk [tilespmem:s17+$0x0 ss:$0x1], $0xffff  }
.Ltmp4:
0x4c: {  	_ = 	snop;
	(pc) =	sbr.rel .LBB2_4-.Ltmp4, $1  }
0x4d: {  	_ =	sdelay $0x3  }
.LBB2_6:
0x4e: {  	_ =	sfence.sel $0x180000  }
0x4f: {  	s2 =	simm.s32 $0x2;
	[bflag:$0x0] =	sbarrier.arrive $0xFFFF  }
0x50: {  	s30 =	simm.s32 $0x3;
	[sflag:s2] =	ssyncpa.u1 $0x1  }
0x51: {  	s31 =	simm.s32 $0x1;
	[sflag:s30] =	ssyncpa.u1 $0x1  }
0x52: {  	[sflag:s31] =	ssyncpa.u1 $0x1  }
0x53: {  	p0 =	sne.s32 s0, $0x0;
	_ =	strace $0x90000047  }
0x54: {  	s0 =	sadd.s32 @!p0 $0x100000, s1;
	[bflag:$0x2] =	sbarrier.arrive $0xFFFF  }
0x55: {  	[sflag:s0] =	ssyncadd.tile.s32 @!p0 $0x1;
	_ =	shalt  }
.Lfunc_end2:
_tile_overlayer_lowered:
.L_overlay_start_2:
0x56: {  	(tag) =	ssettag $0x2  }
0x57: {  	s0 =	rddreg [dreg:$0x0];
	s2 =	stileid.u32  }
0x58: {  	s1 =	rddreg [dreg:$0x1];
	p0 =	sne.s32 s2, $0x0  }
0x59: {  	s3 =	rddreg [dreg:$0x2];
	[bflag:$0x3] =	sbarrier.arrive $0xFFFF;
	s2 =	simm.s32 @!p0 $0x1C01  }
0x5a: {  	[timem:s3], [sflag:s2] =	dma.local @!p0 [hbm:s0], s1  }
0x5b: {  	s0 =	simm.s32 @!p0 $0x1  }
0x5c: {  	_ =	swait.ge @!p0 [sflag:s0], s1  }
0x5d: {  	s1 =	ssub.s32 @!p0 $0x0, s1;
	[sflag:s0] =	ssyncset.done @!p0 $0x0  }
0x5e: {  	[sflag:s0] =	ssyncadd.s32 @!p0 s1  }
0x5f: {  	[bflag:$0x3] =	sbarrier.arrive $0xFFFF  }
0x60: {  	_ =	shalt  }

// kernel: gather_offload_async_start
scs
__scs_entry_jumppad:
0x0: {  	(pc) =	sbr.rel $0x88, $3  }
0x1: {  	(tag) =	ssettag $0x0;
	lr =	simm.s32 $0x1  }
0x2: {  	[smem:$0x3F9E] =	sst lr;
	_ =	strace $0xD0000000  }
0x3: {  	_ = 	snop  }
0x4: {  	_ = 	snop  }
0x5: {  	_ = 	snop  }
0x6: {  	_ = 	snop  }
0x7: {  	_ = 	snop  }
__scs_overlays_trampoline_lowered:
0x8: {  	[smem:$0x3FAD] =	sst s0  }
0x9: {  	[smem:$0x3FAE] =	sst s1  }
0xa: {  	[smem:$0x3FAF] =	sst s2  }
0xb: {  	[smem:$0x3FB0] =	sst s3  }
0xc: {  	[smem:$0x3FB1] =	sst s4  }
0xd: {  	[smem:$0x3FB2] =	sst s5  }
0xe: {  	[smem:$0x3FB3] =	sst s6  }
0xf: {  	[smem:$0x3FB4] =	sst s7  }
0x10: {  	[smem:$0x3FB5] =	sst s8  }
0x11: {  	[smem:$0x3FB6] =	sst s9;
	s0 =	simm.s32 @!p0 $0x0  }
0x12: {  	s1 =	sld [smem:$0x3F9C];
	s0 =	simm.s32 @p0 $0x1  }
0x13: {  	[smem:$0x3FB7] =	sst s0;
	s0 =	simm.s32 @!p1 $0x0  }
0x14: {  	s2 =	sld [smem:$0x3F9B];
	s0 =	simm.s32 @p1 $0x1  }
0x15: {  	[smem:$0x3FB8] =	sst s0;
	s0 =	simm.s32 @!p2 $0x0  }
0x16: {  	s3 =	sld [smem:$0x3FDB];
	s0 =	simm.s32 @p2 $0x1  }
0x17: {  	s4 =	simm.s32 $0x1BF5;
	[smem:$0x3FBA] =	sst s0  }
0x18: {  	s0 =	sld [smem:$0x3F9D];
	_ =	swait.ge [sflag:s4], $0x0  }
0x19: {  	s7 =	sld [smem:$0x3F9E]  }
0x1a: {  	s8 =	sadd.s32 $0xFFFFE003, lr  }
0x1b: {  	s9 =	sadd.s32 $0xFFFFFEF7, lr;
	s5 =	simm.s32 $0xFFFFFFFF;
	p2 =	slt.u32 s8, $0xFFFFF086  }
0x1c: {  	p1 =	slt.u32 s9, $0xF7A;
	s5 =	simm.s32 @!p2 $0x0  }
0x1d: {  	s5 =	simm.s32 @p1 $0x1;
	p0 =	seq.s32 s7, s2  }
0x1e: {  	s7 =	smul.u32 @!p0 $0xF7A, s2;
	p2 =	seq.s32 @!p0 s5, $0x0  }
0x1f: {  	s9 =	smul.u32 $0xF7A, s1;
	s8 =	simm.s32 @!p0 $0x1BF5;
	p2 =	por !p2, p0  }
0x20: {  	[sflag:s8] =	ssyncset.s32 @!p0 $0xFFFFF086;
	s6 =	sadd.s32 @!p0 s3, s7;
	s7 =	simm.s32 @!p0 $0x108  }
0x21: {  	s3 =	sadd.s32 s3, s9;
	s6 =	sadd.s32 @!p0 $0x88, s6;
	s7 =	simm.s32 @p2 $0x1082  }
0x22: {  	[simem:s7], [sflag:s8] =	dma.local @!p0 [hbm:s6], $0xF7A  }
0x23: {  	s9 =	sor.u32 $0xD0000000, s2;
	s6 =	simm.s32 $0x108;
	_ =	swait.ge @!p0 [sflag:s8], $0x0  }
0x24: {  	s3 =	sadd.s32 $0x88, s3;
	s6 =	simm.s32 @!p1 $0x1082;
	[sflag:s4] =	ssyncset.s32 $0xFFFFF086  }
0x25: {  	[simem:s6], [sflag:s4] =	dma.local [hbm:s3], $0xF7A  }
0x26: {  	[smem:$0x3F9E] =	sst s1;
	(tag) =	ssettag s2;
	_ =	strace s9  }
0x27: {  	s1 =	sld [smem:$0x3FAE]  }
0x28: {  	s2 =	sld [smem:$0x3FAF]  }
0x29: {  	s4 =	sld [smem:$0x3FB1]  }
0x2a: {  	p0 =	seq.s32 s5, $0x0;
	s5 =	sld [smem:$0x3FB2]  }
0x2b: {  	s6 =	sld [smem:$0x3FB3]  }
0x2c: {  	s7 =	sld [smem:$0x3FB4]  }
0x2d: {  	s3 =	simm.s32 $0x108;
	s8 =	sld [smem:$0x3FB5]  }
0x2e: {  	s3 =	simm.s32 @!p0 $0x1082;
	s9 =	sld [smem:$0x3FB6]  }
0x2f: {  	lr =	sadd.s32 s0, s3;
	s0 =	sld [smem:$0x3FAD]  }
0x30: {  	s3 =	sld [smem:$0x3FB0]  }
0x31: {  	[smem:$0x3FB9] =	sst s10  }
0x32: {  	s10 =	sld [smem:$0x3FB7];
	_ =	sdelay $0x3  }
0x33: {  	p0 =	seq.s32 s10, $0x1;
	s10 =	sld [smem:$0x3FB9];
	_ =	sdelay $0x3  }
0x34: {  	[smem:$0x3FB9] =	sst s10  }
0x35: {  	s10 =	sld [smem:$0x3FB8];
	_ =	sdelay $0x3  }
0x36: {  	p1 =	seq.s32 s10, $0x1;
	s10 =	sld [smem:$0x3FB9];
	_ =	sdelay $0x3  }
0x37: {  	[smem:$0x3FB9] =	sst s10  }
0x38: {  	s10 =	sld [smem:$0x3FBA]  }
0x39: {  	_ = 	snop;
	(pc) =	sbr.ind lr, $3  }
0x3a: {  	_ = 	snop  }
0x3b: {  	_ = 	snop  }
0x3c: {  	p2 =	seq.s32 s10, $0x1;
	s10 =	sld [smem:$0x3FB9]  }
0x3d: {  	_ =	shalt  }
0x3e: {  	_ =	shalt  }
0x3f: {  	_ =	shalt  }
0x40: {  	_ =	shalt  }
0x41: {  	_ =	shalt  }
0x42: {  	_ =	shalt  }
0x43: {  	_ =	shalt  }
0x44: {  	_ =	shalt  }
0x45: {  	_ =	shalt  }
0x46: {  	_ =	shalt  }
0x47: {  	_ =	shalt  }
0x48: {  	_ =	shalt  }
0x49: {  	_ =	shalt  }
0x4a: {  	_ =	shalt  }
0x4b: {  	_ =	shalt  }
0x4c: {  	_ =	shalt  }
0x4d: {  	_ =	shalt  }
0x4e: {  	_ =	shalt  }
0x4f: {  	_ =	shalt  }
0x50: {  	_ =	shalt  }
0x51: {  	_ =	shalt  }
0x52: {  	_ =	shalt  }
0x53: {  	_ =	shalt  }
0x54: {  	_ =	shalt  }
0x55: {  	_ =	shalt  }
0x56: {  	_ =	shalt  }
0x57: {  	_ =	shalt  }
0x58: {  	_ =	shalt  }
0x59: {  	_ =	shalt  }
0x5a: {  	_ =	shalt  }
0x5b: {  	_ =	shalt  }
0x5c: {  	_ =	shalt  }
0x5d: {  	_ =	shalt  }
0x5e: {  	_ =	shalt  }
0x5f: {  	_ =	shalt  }
0x60: {  	_ =	shalt  }
0x61: {  	_ =	shalt  }
0x62: {  	_ =	shalt  }
0x63: {  	_ =	shalt  }
0x64: {  	_ =	shalt  }
0x65: {  	_ =	shalt  }
0x66: {  	_ =	shalt  }
0x67: {  	_ =	shalt  }
0x68: {  	_ =	shalt  }
0x69: {  	_ =	shalt  }
0x6a: {  	_ =	shalt  }
0x6b: {  	_ =	shalt  }
0x6c: {  	_ =	shalt  }
0x6d: {  	_ =	shalt  }
0x6e: {  	_ =	shalt  }
0x6f: {  	_ =	shalt  }
0x70: {  	_ =	shalt  }
0x71: {  	_ =	shalt  }
0x72: {  	_ =	shalt  }
0x73: {  	_ =	shalt  }
0x74: {  	_ =	shalt  }
0x75: {  	_ =	shalt  }
0x76: {  	_ =	shalt  }
0x77: {  	_ =	shalt  }
0x78: {  	_ =	shalt  }
0x79: {  	_ =	shalt  }
0x7a: {  	_ =	shalt  }
0x7b: {  	_ =	shalt  }
0x7c: {  	_ =	shalt  }
0x7d: {  	_ =	shalt  }
0x7e: {  	_ =	shalt  }
0x7f: {  	_ =	shalt  }
0x80: {  	_ =	shalt  }
0x81: {  	_ =	shalt  }
0x82: {  	_ =	shalt  }
0x83: {  	_ =	shalt  }
0x84: {  	_ =	shalt  }
0x85: {  	_ =	shalt  }
0x86: {  	_ =	shalt  }
0x87: {  	_ =	shalt  }
.Lfunc_end0:
.L_simem_size_0:
called_computation_lowered:
.L_overlay_start_0:
0x88: {  	s2 =	sld [smem:$0x3FD9]  }
0x89: {  	s3 =	sld [smem:$0x3FFE];
	_ =	sdelay $0x1  }
0x8a: {  	s1 =	srdreg.scid  }
0x8b: {  	s0 =	sand.u32 $0x1, s1  }
0x8c: {  	s14 =	sshll.u32 s0, $0xA;
	s2 =	sadd.s32 s3, s2  }
0x8d: {  	s2 =	sadd.s32 s2, s14  }
0x8e: {  	[smem:$0x3FC5] =	sst s2  }
0x8f: {  	_ = 	snop  }
0x90: {  	s2 =	sld [smem:$0x3FD0];
	_ =	sdelay $0x2  }
0x91: {  	s15 =	simm.s32 $0xA;
	s4 =	simm.s32 $0x10  }
0x92: {  	[smem:s4], [sflag:s15] =	dma.local [hbm:s2], $0x1  }
0x93: {  	_ =	swait.eq [sflag:s15], $0x1  }
0x94: {  	[sflag:s15] =	ssyncset.done $0x0  }
0x95: {  	[sflag:s15] =	ssyncadd.s32 $0xFFFFFFFF  }
0x96: {  	s16 =	sld [smem:$0x10];
	(tm) =	ssettm $0x1  }
0x97: {  	s17 =	sld [smem:$0x3FFB];
	_ =	sdelay $0x3  }
0x98: {  	_ =	strace s17  }
0x99: {  	s3 =	sld [smem:$0x3FFC];
	_ =	sdelay $0x3  }
0x9a: {  	_ =	strace s3  }
0x9b: {  	s3 =	sld [smem:$0x3FFD];
	_ =	sdelay $0x3  }
0x9c: {  	_ =	strace s3  }
0x9d: {  	_ =	strace $0x8FFFFFFF  }
0x9e: {  	s18 =	sld [smem:$0x3FDB];
	_ =	sdelay $0x1  }
0x9f: {  	s19 =	simm.s32 $_scs_section_size  }
0xa0: {  	s5 =	simm.s32 $_size__tile_overlayer_lowered;
	s6 =	simm.s32 $_tile_overlayer_lowered  }
0xa1: {  	s22 =	simm.s32 $0x1BFF;
	s21 =	sshll.u32 s6, $0x1;
	s3 =	sadd.s32 s19, s18  }
0xa2: {  	s7 =	simm.s32 $0x0;
	s20 =	sshll.u32 s5, $0x1;
	s5 =	sadd.s32 s21, s3  }
0xa3: {  	[timem:s7], [sflag:s22] =	dma.local [hbm:s5], s20  }
0xa4: {  	_ =	swait.ge [sflag:s22], s20  }
0xa5: {  	s4 =	ssub.s32 $0x0, s20;
	[sflag:s22] =	ssyncset.done $0x0  }
0xa6: {  	[sflag:s22] =	ssyncadd.s32 s4;
	_ =	sdelay $0x1  }
0xa7: {  	s23 =	simm.s32 $0x1B8B  }
0xa8: {  	_ =	swait.ge [sflag:s23], $0x1  }
0xa9: {  	[sflag:s23] =	ssyncset.done $0x0  }
0xaa: {  	s25 =	simm.s32 $0x1B8E;
	s24 =	sld [smem:$0x3FFE];
	[sflag:s23] =	ssyncadd.s32 $0xFFFFFFFF  }
0xab: {  	s26 =	simm.s32 $execute0_lowered;
	[smem:$0x3FD2] =	sst s25  }
0xac: {  	s5 =	sshll.u32 s26, $0x1;
	_ =	strace $0x80000049;
	[dreg:$0x1] =	wrdreg $0xFFFFFFFF  }
0xad: {  	s28 =	simm.s32 $_size_execute0_lowered;
	s3 =	sadd.s32 s3, s5;
	[dreg:$0x0] =	wrdreg $0x0  }
0xae: {  	s5 =	sshll.u32 s28, $0x1;
	[dreg:$0x2] =	wrdreg s3  }
0xaf: {  	[dreg:$0x3] =	wrdreg s5  }
0xb0: {  	[dreg:$0x4] =	wrdreg $0xC0  }
0xb1: {  	_ =	task [dreg:s7], $0x5FFFF  }
0xb2: {  	[dreg:$0x1] =	wrdreg $0xFFFFFFFF  }
0xb3: {  	[dreg:$0x0] =	wrdreg $0x60  }
0xb4: {  	[dreg:$0x2] =	wrdreg s24  }
0xb5: {  	[dreg:$0x3] =	wrdreg s16  }
0xb6: {  	[dreg:$0x4] =	wrdreg $0x9  }
0xb7: {  	_ =	task.clear_ibuf [dreg:s7], $0x5FFFF;
	_ =	strace $0x90000049  }
0xb8: {  	s29 =	simm.s32 $0x9;
	_ =	strace $0x8000004B  }
0xb9: {  	_ =	swait.ge [sflag:s29], $0x1  }
0xba: {  	[sflag:s29] =	ssyncadd.s32 $0xFFFFFFFF  }
0xbb: {  	_ =	strace $0x9000004B  }
0xbc: {  	_ =	sfence  }
0xbd: {  	s30 =	sld [smem:$0x0];
	_ =	sdelay $0x2  }
0xbe: {  	s31 =	sshll.u32 s1, $0xD;
	s1 =	sshrl.u32 s1, $0x2  }
0xbf: {  	s3 =	sand.u32 $0x4000, s31;
	s1 =	sadd.s32 s1, s30  }
0xc0: {  	s0 =	sor.u32 s3, s0;
	s1 =	sshll.u32 s1, $0x11  }
0xc1: {  	s0 =	sor.u32 s1, s0  }
0xc2: {  	s0 =	sadd.s32 $0x8F2B, s0  }
0xc3: {  	[sflag:s0] =	ssyncadd.remote.s32 $0x1  }
0xc4: {  	_ =	sfence.sel $0xFFFF  }
0xc5: {  	[dreg:$0x0] =	wrdreg $0xFFFFFFFF;
	(pc) =	sbr.abs _section_cstart, $3  }
0xc6: {  	[dreg:$0x1] =	wrdreg $0xFFFFFFFF  }
0xc7: {  	_ =	task.clear_ibuf [dreg:s7], $0x2FFFF;
	_ =	strace $0x9FFFFFFF  }
0xc8: {  	(tm) =	ssettm $0x7FFFFFFF  }
0xc9: {  	_ =	shalt  }
tec
execute0_lowered:
.L_overlay_start_1:
0x0: {  	(tag) =	ssettag $0x1  }
0x1: {  	s0 =	srdreg.scid  }
0x2: {  	s1 =	sshll.u32 s0, $0x4  }
0x3: {  	s0 =	stileid.u32;
	s1 =	sand.u32 $0x10, s1  }
0x4: {  	s2 =	sor.u32 s0, s1  }
0x5: {  	s1 =	smin.u32 s2, $0x12  }
0x6: {  	s1 =	sadd.s32 s2, s1  }
0x7: {  	p0 =	slt.u32 s2, $0x12;
	s2 =	simm.s32 $0x140;
	s1 =	smul.u32 $0xA0, s1  }
0x8: {  	s2 =	simm.s32 @!p0 $0xA0  }
0x9: {  	s2 =	sadd.s32 s2, s1  }
0xa: {  	s3 =	smin.u32 s2, $0x1F40  }
0xb: {  	s7 =	ssub.s32 s3, s1  }
0xc: {  	p0 =	sgt.s32 s7, $0x0  }
0xd: {  	s7 =	simm.s32 @!p0 $0x0  }
0xe: {  	s4 =	rddreg [dreg:$0x0];
	s31 =	smul.u32 $0xCCCD, s7  }
0xf: {  	s5 =	rddreg [dreg:$0x1]  }
0x10: {  	s6 =	simm.s32 $0x1;
	s10 =	simm.s32 $0x3;
	s8 =	sshrl.u32 s31, $0x17  }
0x11: {  	s13 =	simm.s32 $0x0;
	s12 =	simm.s32 $0x0;
	s9 =	smul.u32 $0xA0, s8  }
.Ltmp0:
0x12: {  	s11 =	smov.u32 s1;
	s2 =	rddreg [dreg:$0x2];
	(pc) =	sbr.rel .LBB2_1-.Ltmp0, $4  }
0x13: {  	_ =	strace $0x8000004A;
	p0 =	sne.s32 s7, s9;
	s9 =	simm.s32 $0x1  }
0x14: {  	[sflag:s6] =	ssyncpa.u1 $0x0;
	s7 =	simm.s32 $0x2;
	s9 =	simm.s32 @!p0 $0x0  }
0x15: {  	[sflag:s7] =	ssyncpa.u1 $0x0;
	p0 =	por $0x0, $0x0;
	s8 =	sadd.s32 s8, s9  }
0x16: {  	vm0 =	vmmov $0xff;
	vm1 =	vcmask $0x3F20;
	s9 =	sadd.s32 $0x271000, s4;
	[sflag:s10] =	ssyncpa.u1 $0x0;
	s10 =	sadd.s32 $0x1, s8  }
.LBB2_6:
0x17: {  	[hbm:s17] =	stream.linear.scatter [tilespmem:s14], [sflag:$0x3], $0x400, $0x38;
	[tilespmem:$0xA140] =	vst v63  }
.LBB2_7:
0x18: {  	s13 =	sadd.s32 $0xA0, s11  }
0x19: {  	s15 =	smov.u32 s1;
	p2 =	slt.s32 s13, s3  }
0x1a: {  	s15 =	smov.u32 @p2 s13;
	p2 =	sne.s32 s12, s10  }
.Ltmp1:
0x1b: {  	p1 =	slt.u32 s12, $0x2;
	(pc) =	sbr.rel @!p2 .LBB2_8-.Ltmp1, $4  }
0x1c: {  	s14 =	simm.s32 @!p1 $0x3  }
0x1d: {  	s16 =	sadd.s32 $0x1, s12;
	_ =	swait.ge @!p1 [sflag:s14], $0x5000  }
0x1e: {  	p0 =	por !p0, !p0;
	s13 =	smov.u32 s11;
	[sflag:s14] =	ssyncset.done @!p1 $0x0  }
0x1f: {  	s12 =	smov.u32 s16;
	s11 =	smov.u32 s15;
	[sflag:s14] =	ssyncadd.s32 @!p1 $0xFFFFB000  }
.LBB2_1:
0x20: {  	p1 =	sge.u32 s12, s8  }
0x21: {  	s14 =	sxor.u32 @!p1 $0xFFFFFFFF, s12  }
0x22: {  	s14 =	sand.u32 @!p1 $0x1, s14  }
0x23: {  	s14 =	smul.u32 @!p1 $0x280, s14  }
0x24: {  	s31 =	sadd.s32 $0xFFFFFFFF, s12;
	s15 =	sshrl.u32 @!p1 s11, $0x3  }
0x25: {  	s16 =	sand.u32 @!p1 $0x7, s11;
	s15 =	sadd.s32 @!p1 s5, s15;
	s14 =	sshrl.u32 @!p1 s14, $0x2  }
0x26: {  	[tilespmem:s14], [sflag:$0x2] =	stream.linear.gather @!p1 [hbm4b:s15+s16], $0xA0, $0x38;
	[tilespmem:$0xA140] =	vst v63  }
0x27: {  	p1 =	sge.u32 s31, s8  }
.Ltmp2:
0x28: {  	_ = 	snop;
	(pc) =	sbr.rel @p1 .LBB2_7-.Ltmp2, $1  }
0x29: {  	_ =	sdelay $0x3  }
0x2a: {  	s14 =	simm.s32 $0x1  }
0x2b: {  	s14 =	simm.s32 @!p0 $0x0  }
0x2c: {  	s15 =	smul.u32 $0x280, s14  }
0x2d: {  	_ =	swait.ge [sflag:s7], $0xA0  }
0x2e: {  	[sflag:s7] =	ssyncset.done $0x0;
	s16 =	sshrl.u32 s15, $0x2  }
0x2f: {  	[sflag:s7] =	ssyncadd.s32 $0xFFFFFF60;
	s15 =	sadd.s32 $0x0, s16  }
0x30: {  	v0 =	vld.msk [tilespmem:s15+$0x0 ss:$0x1], $0xffff;
	_ =	sdelay $0x4  }
0x31: {  	v1 =	vand.u32 $0x7, v0;
	v2 =	vshll.u32 v0, $0x4  }
0x32: {  	vm2 =	veq.s32 v0, $0x80000000;
	v0 =	vmul.u32 $0x271000, v1;
	v1 =	vand.u32 $0x3FFF80, v2  }
0x33: {  	v1 =	vsel vm2, $0xFFFFFF80, v1  }
0x34: {  	v0 =	vsel vm2, $0xFFD8F000, v0;
	v2 =	vand.u32 $0xFFFFFC00, v1  }
0x35: {  	v1 =	vand.u32 $0x380, v1;
	v0 =	vadd.s32 v0, v2  }
0x36: {  	v0 =	vor.u32 v1, v0  }
0x37: {  	v0 =	vshrl.u32 v0, $0x3  }
0x38: {  	s14 =	smul.u32 $0x14000, s14;
	_ =	sdelay $0x1  }
0x39: {  	s14 =	sshrl.u32 s14, $0x2  }
0x3a: {  	s14 =	sor.u32 $0x140, s14  }
0x3b: {  	[tilespmem:s14], [sflag:$0x1] =	stream.indirect_vreg.gather [hbm:s4], $0x80, v0, vm0, $0x38;
	[tilespmem:$0xA140] =	vst v63  }
0x3c: {  	s17 =	sadd.s32 $0x10, s16;
	s15 =	sadd.s32 $0x400, s14  }
0x3d: {  	[tilespmem:s15], [sflag:$0x1] =	stream.indirect_vreg.gather [hbm:s4], $0x80, v0, vm1, $0x38;
	[tilespmem:$0xA140] =	vst v63  }
0x3e: {  	s18 =	simm.s32 $0x80;
	v0 =	vld.msk [tilespmem:s17+$0x0 ss:$0x1], $0xffff;
	s17 =	smov.u32 s14  }
.LBB2_3:
0x3f: {  	p1 =	sne.s32 s18, $0x240;
	_ =	sdelay $0x4  }
0x40: {  	v1 =	vand.u32 $0x7, v0;
	v2 =	vshll.u32 v0, $0x4  }
0x41: {  	vm2 =	veq.s32 v0, $0x80000000;
	v0 =	vmul.u32 $0x271000, v1;
	v1 =	vand.u32 $0x3FFF80, v2  }
0x42: {  	v1 =	vsel vm2, $0xFFFFFF80, v1  }
0x43: {  	v0 =	vsel vm2, $0xFFD8F000, v0;
	v2 =	vand.u32 $0xFFFFFC00, v1  }
0x44: {  	v1 =	vand.u32 $0x380, v1;
	v0 =	vadd.s32 v0, v2  }
0x45: {  	v0 =	vor.u32 v1, v0  }
0x46: {  	v0 =	vshrl.u32 v0, $0x3;
	_ =	sdelay $0x3  }
.Ltmp3:
0x47: {  	s19 =	sshra.s32 s18, $0x2;
	s17 =	sadd.s32 $0x800, s17;
	(pc) =	sbr.rel @p1 .LBB2_3-.Ltmp3, $4  }
0x48: {  	[tilespmem:s17], [sflag:$0x1] =	stream.indirect_vreg.gather [hbm:s4], $0x80, v0, vm0, $0x38;
	[tilespmem:$0xA140] =	vst v63  }
0x49: {  	s19 =	sadd.s32 s19, s16;
	s20 =	sadd.s32 $0x400, s17  }
0x4a: {  	[tilespmem:s20], [sflag:$0x1] =	stream.indirect_vreg.gather [hbm:s4], $0x80, v0, vm1, $0x38;
	[tilespmem:$0xA140] =	vst v63  }
0x4b: {  	s18 =	sadd.s32 $0x40, s18;
	v0 =	vld.msk [tilespmem:s19+$0x0 ss:$0x1], $0xffff  }
0x4c: {  	_ =	sdelay $0x3  }
0x4d: {  	v1 =	vand.u32 $0x7, v0;
	v2 =	vshll.u32 v0, $0x4  }
0x4e: {  	vm2 =	veq.s32 v0, $0x80000000;
	v61 =	vmul.u32 $0x271000, v1;
	v62 =	vand.u32 $0x3FFF80, v2  }
0x4f: {  	v1 =	vsel vm2, $0xFFFFFF80, v62  }
0x50: {  	v0 =	vsel vm2, $0xFFD8F000, v61;
	v63 =	vand.u32 $0xFFFFFC00, v1  }
0x51: {  	v1 =	vand.u32 $0x380, v1;
	v0 =	vadd.s32 v0, v63  }
0x52: {  	v0 =	vor.u32 v1, v0  }
0x53: {  	v0 =	vshrl.u32 v0, $0x3;
	_ =	sdelay $0x3  }
0x54: {  	s16 =	sadd.s32 $0x800, s17  }
0x55: {  	[tilespmem:s16], [sflag:$0x1] =	stream.indirect_vreg.gather [hbm:s4], $0x80, v0, vm0, $0x38;
	[tilespmem:$0xA140] =	vst v63  }
0x56: {  	s16 =	sadd.s32 $0x400, s16  }
0x57: {  	[tilespmem:s16], [sflag:$0x1] =	stream.indirect_vreg.gather [hbm:s4], $0x80, v0, vm1, $0x38;
	[tilespmem:$0xA140] =	vst v63  }
0x58: {  	s13 =	sshll.u32 s13, $0x4;
	_ =	swait.ge [sflag:s6], $0x5000  }
0x59: {  	s13 =	sadd.s32 s13, s9;
	[sflag:s6] =	ssyncset.done $0x0  }
0x5a: {  	s17 =	sadd.s32 $0x0, s13;
	s16 =	simm.s32 $0x80;
	[sflag:s6] =	ssyncadd.s32 $0xFFFFB000  }
.LBB2_5:
0x5b: {  	[hbm:s17] =	stream.linear.scatter [tilespmem:s14], [sflag:$0x3], $0x400, $0x38;
	[tilespmem:$0xA140] =	vst v63  }
0x5c: {  	s17 =	smov.u32 s16;
	s14 =	smov.u32 s15;
	p1 =	sne.s32 s16, $0x980  }
.Ltmp4:
0x5d: {  	s16 =	sadd.s32 $0x80, s16;
	(pc) =	sbr.rel @p1 .LBB2_5-.Ltmp4, $2  }
0x5e: {  	_ =	sdelay $0x2  }
0x5f: {  	s15 =	sadd.s32 $0x400, s15;
	s17 =	sadd.s32 s17, s13  }
.Ltmp5:
0x60: {  	_ = 	snop;
	(pc) =	sbr.rel .LBB2_6-.Ltmp5, $1  }
0x61: {  	_ =	sdelay $0x3  }
.LBB2_8:
0x62: {  	_ =	sfence.sel $0x180000  }
0x63: {  	s1 =	simm.s32 $0x2;
	[bflag:$0x0] =	sbarrier.arrive $0xFFFF  }
0x64: {  	s30 =	simm.s32 $0x3;
	[sflag:s1] =	ssyncpa.u1 $0x1  }
0x65: {  	s31 =	simm.s32 $0x1;
	[sflag:s30] =	ssyncpa.u1 $0x1  }
0x66: {  	[sflag:s31] =	ssyncpa.u1 $0x1  }
0x67: {  	p0 =	sne.s32 s0, $0x0;
	_ =	strace $0x9000004A  }
0x68: {  	s0 =	sadd.s32 @!p0 $0x100000, s2;
	[bflag:$0x2] =	sbarrier.arrive $0xFFFF  }
0x69: {  	[sflag:s0] =	ssyncadd.tile.s32 @!p0 $0x1;
	_ =	shalt  }
.Lfunc_end2:
_tile_overlayer_lowered:
.L_overlay_start_2:
0x6a: {  	(tag) =	ssettag $0x2  }
0x6b: {  	s0 =	rddreg [dreg:$0x0];
	s2 =	stileid.u32  }
0x6c: {  	s1 =	rddreg [dreg:$0x1];
	p0 =	sne.s32 s2, $0x0  }
0x6d: {  	s3 =	rddreg [dreg:$0x2];
	[bflag:$0x3] =	sbarrier.arrive $0xFFFF;
	s2 =	simm.s32 @!p0 $0x1C01  }
0x6e: {  	[timem:s3], [sflag:s2] =	dma.local @!p0 [hbm:s0], s1  }
0x6f: {  	s0 =	simm.s32 @!p0 $0x1  }
0x70: {  	_ =	swait.ge @!p0 [sflag:s0], s1  }
0x71: {  	s1 =	ssub.s32 @!p0 $0x0, s1;
	[sflag:s0] =	ssyncset.done @!p0 $0x0  }
0x72: {  	[sflag:s0] =	ssyncadd.s32 @!p0 s1  }
0x73: {  	[bflag:$0x3] =	sbarrier.arrive $0xFFFF  }
0x74: {  	_ =	shalt  }

</sc_bundles>
